<compile_context>
chip_gen: v7x
topology: tpu7x:2x2x1
jax: 0.10.2.dev20260603
libtpu: 0.0.44.dev20260713+nightly
codegen_flags: <defaults>
</compile_context>

<pallas_src>
import functools

import jax
import jax.numpy as jnp
from jax import lax
from jax.experimental import pallas as pl
from jax.experimental.pallas import tpu as pltpu, tpu_sc as plsc

B, C, H_p, W_p = 2, 192, 24, 24
H_img, W_img = 384, 384
NUM_SEG = 128
N_PATCH = H_p * W_p
N_PIX = H_img * W_img

NW = 32
N_ITEM = B * 48
ITEM_PIX = 3072
ITEMS_PER_W = N_ITEM // NW
CB = 16


def _means_body(feat_ref, seg_ref, out_ref):
    seg = jnp.clip(seg_ref[0], 0, NUM_SEG - 1)
    iota = jax.lax.broadcasted_iota(jnp.int32, (NUM_SEG, N_PATCH), 0)
    onehot = (iota == seg).astype(jnp.float32)
    sums = jax.lax.dot_general(
        onehot, feat_ref[0],
        dimension_numbers=(((1,), (1,)), ((), ())),
        preferred_element_type=jnp.float32,
        precision=jax.lax.Precision.HIGHEST)
    counts = jnp.sum(onehot, axis=1)
    out_ref[0] = sums / jnp.maximum(counts, 1.0)[:, None]


_sc_mesh = plsc.VectorSubcoreMesh(core_axis_name="c", subcore_axis_name="s")


@functools.partial(
    pl.kernel,
    mesh=_sc_mesh,
    compiler_params=pltpu.CompilerParams(needs_layout_passes=False),
    out_type=jax.ShapeDtypeStruct((B, C, 48, ITEM_PIX), jnp.float32),
    scratch_types=[
        pltpu.VMEM((B * NUM_SEG * C,), jnp.float32),
        pltpu.VMEM((ITEM_PIX,), jnp.int32),
        pltpu.VMEM((CB, ITEM_PIX), jnp.float32),
    ],
)
def _sc_paint(gid_hbm, means_hbm, out_hbm, means_v, gid_v, out_v):
    wid = lax.axis_index("s") * 2 + lax.axis_index("c")
    pltpu.sync_copy(means_hbm, means_v)

    def item_body(k, _):
        item = wid * ITEMS_PER_W + k
        b = item // 48
        ht = item % 48
        pltpu.sync_copy(gid_hbm.at[item], gid_v)

        def cblk_body(cb, _):
            def g_body(g, _):
                base16 = gid_v[pl.ds(g * 16, 16)] + cb * CB
                for ci in range(CB):
                    vals = plsc.load_gather(means_v, [base16 + ci])
                    out_v[ci, pl.ds(g * 16, 16)] = vals
                return 0

            lax.fori_loop(0, ITEM_PIX // 16, g_body, 0, unroll=4)
            pltpu.sync_copy(out_v, out_hbm.at[b, pl.ds(cb * CB, CB), ht])
            return 0

        lax.fori_loop(0, C // CB, cblk_body, 0)
        return 0

    lax.fori_loop(0, ITEMS_PER_W, item_body, 0)


@jax.jit
def kernel(F_semantic_patches, segmentation_mask):
    feat = F_semantic_patches.reshape(B, C, N_PATCH)
    seg_small = segmentation_mask[:, ::16, ::16].reshape(B, 1, N_PATCH)

    means = pl.pallas_call(
        _means_body,
        grid=(B,),
        in_specs=[
            pl.BlockSpec((1, C, N_PATCH), lambda b: (b, 0, 0)),
            pl.BlockSpec((1, 1, N_PATCH), lambda b: (b, 0, 0)),
        ],
        out_specs=pl.BlockSpec((1, NUM_SEG, C), lambda b: (b, 0, 0)),
        out_shape=jax.ShapeDtypeStruct((B, NUM_SEG, C), jnp.float32),
    )(feat, seg_small)
    means_flat = means.reshape(B * NUM_SEG * C)

    segc = jnp.clip(segmentation_mask, 0, NUM_SEG - 1)
    gid = segc * C + (jnp.arange(B, dtype=jnp.int32) * (NUM_SEG * C))[:, None, None]
    gid6 = gid.reshape(B, 48, 8, 3, 128).transpose(0, 1, 3, 2, 4)
    gid_items = gid6.reshape(N_ITEM, ITEM_PIX)

    painted = _sc_paint(gid_items, means_flat)
    out = painted.reshape(B, C, 48, 3, 8, 128).transpose(0, 1, 2, 4, 3, 5)
    return out.reshape(B, C, H_img, W_img)

# --- scband reference (transcript-rebuilt; emitter-appended) ---
"""Pipeline reference for scband-dino-gaze-spade-v2-91250875171103 (READ-ONLY COPY).

The authoritative reference and input builder live on the scoring server;
editing this copy changes nothing except your own understanding.
"""

import jax, jax.numpy as jnp
import numpy as np

B, C, H_p, W_p = 2, 192, 24, 24
H_img, W_img = 384, 384
NUM_SEG = 128


def setup_inputs(seed: int = 0) -> dict:
    key = jax.random.key(seed)
    k1, k2 = jax.random.split(key)
    F_sem = jax.random.normal(k1, (B, C, H_p, W_p), dtype=jnp.float32)
    segmap = jax.random.randint(k2, (B, H_img, W_img), 0, NUM_SEG, dtype=jnp.int32)
    return {"F_semantic_patches": F_sem, "segmentation_mask": segmap}


def _paint(F_sem, segmap):
    # nearest-neighbor downsample of segmap to the DINO patch grid (H_p, W_p)
    # PyTorch F.interpolate(mode='nearest'): src_idx = floor(dst_idx * H_in / H_out)
    rows = (jnp.arange(H_p) * H_img) // H_p
    cols = (jnp.arange(W_p) * W_img) // W_p
    seg_small = segmap[:, rows][:, :, cols]  # [B, H_p, W_p]

    # flatten features [B, C, H_p, W_p] -> [B*H_p*W_p, C]
    flat_feat = jnp.transpose(F_sem, (0, 2, 3, 1)).reshape(-1, C)
    batch_idx = jnp.repeat(jnp.arange(B, dtype=jnp.int32), H_p * W_p)
    gids = batch_idx * NUM_SEG + jnp.clip(seg_small.reshape(-1), 0, NUM_SEG - 1)

    # scatter_mean == segment_sum / count (count clamped to >=1; matches torch_scatter + nan_to_num)
    sums = jax.ops.segment_sum(flat_feat, gids, num_segments=B * NUM_SEG)
    counts = jax.ops.segment_sum(jnp.ones((flat_feat.shape[0],), dtype=jnp.float32), gids, num_segments=B * NUM_SEG)
    means = sums / jnp.maximum(counts, 1.0)[:, None]
    means = jnp.nan_to_num(means, nan=0.0)

    # paint averaged segment features back to full pixel resolution (gather)
    pbatch = jnp.repeat(jnp.arange(B, dtype=jnp.int32), H_img * W_img)
    pids = pbatch * NUM_SEG + jnp.clip(segmap.reshape(-1), 0, NUM_SEG - 1)
    painted = jnp.take(means, pids, axis=0)  # [B*H_img*W_img, C]
    return jnp.transpose(painted.reshape(B, H_img, W_img, C), (0, 3, 1, 2))


def reference(F_semantic_patches, segmentation_mask):
    return _paint(F_semantic_patches, segmentation_mask)

if __name__ == "__main__":
    import jax
    _d = setup_inputs()
    print(jax.jit(kernel)(*tuple(_d.values())))

</pallas_src>

<mosaic_0001>
#map = affine_map<(d0, d1) -> (0, 0)>
#map1 = affine_map<(d0, d1) -> (0)>
#map2 = affine_map<(d0, d1) -> (0, 0, 0, 0)>
module attributes {stable_mosaic.version = 14 : i64} {
  func.func @_sc_paint(%arg0: i32, %arg1: i32, %arg2: memref<96x3072xi32, #tpu.memory_space<hbm>>, %arg3: memref<49152xf32, #tpu.memory_space<hbm>>, %arg4: memref<2x192x48x3072xf32, #tpu.memory_space<hbm>>, %arg5: memref<49152xf32, #tpu.memory_space<vmem>>, %arg6: memref<3072xi32, #tpu.memory_space<vmem>>, %arg7: memref<16x3072xf32, #tpu.memory_space<vmem>>) attributes {dimension_semantics = [#tpu.dimension_semantics<core_parallel>, #tpu.dimension_semantics<subcore_parallel>], iteration_bounds = array<i64: 2, 16>, scalar_prefetch = 0 : i64, scratch_operands = 3 : i64, tpu.core_type = #tpu.core_type<sc_vector_subcore>, window_params = [{transform_indices = #map}, {transform_indices = #map1}, {transform_indices = #map2}]} {
    %mul3A = arith.constant 2 : i32
    %mul3A_0 = arith.muli %arg1, %mul3A : i32
    %add3A = arith.addi %mul3A_0, %arg0 : i32
    "tpu.region"() ({
      %run_scoped3A = tpu.sem_alloc : memref<!tpu.dma_semaphore, #tpu.memory_space<semaphore_mem>>
      tpu.enqueue_dma source(%arg3 : memref<49152xf32, #tpu.memory_space<hbm>>) target(%arg5 : memref<49152xf32, #tpu.memory_space<vmem>>) target_semaphore(%run_scoped3A : memref<!tpu.dma_semaphore, #tpu.memory_space<semaphore_mem>>)
      tpu.wait_dma2 semaphore(%run_scoped3A : memref<!tpu.dma_semaphore, #tpu.memory_space<semaphore_mem>>) src(%arg3 : memref<49152xf32, #tpu.memory_space<hbm>>) dst(%arg5 : memref<49152xf32, #tpu.memory_space<vmem>>)
      tpu.yield
    }) : () -> ()
    %scan3A = arith.constant 0 : i32
    %scan3A_1 = arith.constant 0 : i32
    %scan3A_2 = arith.constant 3 : i32
    %scan3A_3 = arith.addi %scan3A_1, %scan3A_2 : i32
    %scan3A_4 = arith.constant 1 : i32
    %scan3A_5 = scf.for %scan3A_7 = %scan3A_1 to %scan3A_3 step %scan3A_4 iter_args(%scan3A_8 = %scan3A) -> (i32)  : i32 {
      %mul3A_9 = arith.constant 3 : i32
      %mul3A_10 = arith.muli %add3A, %mul3A_9 : i32
      %add3A_11 = arith.addi %mul3A_10, %scan3A_7 : i32
      %jit3A = arith.constant 48 : i32
      %div3A = arith.divsi %add3A_11, %jit3A : i32
      %sign3A = arith.constant 0 : i32
      %sign3A_12 = arith.cmpi sgt, %add3A_11, %sign3A : i32
      %sign3A_13 = arith.extui %sign3A_12 : i1 to i32
      %sign3A_14 = arith.constant 0 : i32
      %sign3A_15 = arith.cmpi slt, %add3A_11, %sign3A_14 : i32
      %sign3A_16 = arith.extui %sign3A_15 : i1 to i32
      %sign3A_17 = arith.subi %sign3A_13, %sign3A_16 : i32
      %sign3A_18 = arith.constant 0 : i32
      %sign3A_19 = arith.cmpi sgt, %jit3A, %sign3A_18 : i32
      %sign3A_20 = arith.extui %sign3A_19 : i1 to i32
      %sign3A_21 = arith.constant 0 : i32
      %sign3A_22 = arith.cmpi slt, %jit3A, %sign3A_21 : i32
      %sign3A_23 = arith.extui %sign3A_22 : i1 to i32
      %sign3A_24 = arith.subi %sign3A_20, %sign3A_23 : i32
      %ne3A = arith.cmpi ne, %sign3A_17, %sign3A_24 : i32
      %rem3A = arith.remsi %add3A_11, %jit3A : i32
      %ne3A_25 = arith.constant 0 : i32
      %ne3A_26 = arith.cmpi ne, %rem3A, %ne3A_25 : i32
      %and3A = arith.andi %ne3A, %ne3A_26 : i1
      %sub3A = arith.constant 1 : i32
      %sub3A_27 = arith.subi %div3A, %sub3A : i32
      %select_n3A = arith.select %and3A, %sub3A_27, %div3A : i32
      %jit3A_28 = arith.constant 48 : i32
      %eq3A = arith.constant 0 : i32
      %eq3A_29 = arith.cmpi eq, %jit3A_28, %eq3A : i32
      %jit3A_30 = arith.constant 1 : i32
      %select_n3A_31 = arith.select %eq3A_29, %jit3A_30, %jit3A_28 : i32
      %rem3A_32 = arith.remsi %add3A_11, %select_n3A_31 : i32
      %ne3A_33 = arith.constant 0 : i32
      %ne3A_34 = arith.cmpi ne, %rem3A_32, %ne3A_33 : i32
      %lt3A = arith.constant 0 : i32
      %lt3A_35 = arith.cmpi slt, %rem3A_32, %lt3A : i32
      %lt3A_36 = arith.constant 0 : i32
      %lt3A_37 = arith.cmpi slt, %select_n3A_31, %lt3A_36 : i32
      %ne3A_38 = arith.xori %lt3A_35, %lt3A_37 : i1
      %and3A_39 = arith.andi %ne3A_38, %ne3A_34 : i1
      %add3A_40 = arith.addi %rem3A_32, %select_n3A_31 : i32
      %select_n3A_41 = arith.select %and3A_39, %add3A_40, %rem3A_32 : i32
      "tpu.region"() ({
        %run_scoped3A = tpu.sem_alloc : memref<!tpu.dma_semaphore, #tpu.memory_space<semaphore_mem>>
        %dma_start3A = arith.constant 0 : i32
        %dma_start3A_50 = tpu.memref_slice %arg2[%add3A_11, %dma_start3A] : memref<96x3072xi32, #tpu.memory_space<hbm>> -> memref<1x3072xi32, #tpu.memory_space<hbm>>
        %dma_start3A_51 = tpu.memref_squeeze %dma_start3A_50 : memref<1x3072xi32, #tpu.memory_space<hbm>> -> memref<3072xi32, #tpu.memory_space<hbm>>
        %dma_start3A_52 = arith.constant 0 : i32
        %dma_start3A_53 = tpu.memref_slice %arg2[%add3A_11, %dma_start3A_52] : memref<96x3072xi32, #tpu.memory_space<hbm>> -> memref<1x3072xi32, #tpu.memory_space<hbm>>
        %dma_start3A_54 = tpu.memref_squeeze %dma_start3A_53 : memref<1x3072xi32, #tpu.memory_space<hbm>> -> memref<3072xi32, #tpu.memory_space<hbm>>
        tpu.enqueue_dma source(%dma_start3A_54 : memref<3072xi32, #tpu.memory_space<hbm>>) target(%arg6 : memref<3072xi32, #tpu.memory_space<vmem>>) target_semaphore(%run_scoped3A : memref<!tpu.dma_semaphore, #tpu.memory_space<semaphore_mem>>)
        %dma_wait3A = arith.constant 0 : i32
        %dma_wait3A_55 = tpu.memref_slice %arg2[%add3A_11, %dma_wait3A] : memref<96x3072xi32, #tpu.memory_space<hbm>> -> memref<1x3072xi32, #tpu.memory_space<hbm>>
        %dma_wait3A_56 = tpu.memref_squeeze %dma_wait3A_55 : memref<1x3072xi32, #tpu.memory_space<hbm>> -> memref<3072xi32, #tpu.memory_space<hbm>>
        %dma_wait3A_57 = arith.constant 0 : i32
        %dma_wait3A_58 = tpu.memref_slice %arg2[%add3A_11, %dma_wait3A_57] : memref<96x3072xi32, #tpu.memory_space<hbm>> -> memref<1x3072xi32, #tpu.memory_space<hbm>>
        %dma_wait3A_59 = tpu.memref_squeeze %dma_wait3A_58 : memref<1x3072xi32, #tpu.memory_space<hbm>> -> memref<3072xi32, #tpu.memory_space<hbm>>
        tpu.wait_dma2 semaphore(%run_scoped3A : memref<!tpu.dma_semaphore, #tpu.memory_space<semaphore_mem>>) src(%dma_wait3A_59 : memref<3072xi32, #tpu.memory_space<hbm>>) dst(%arg6 : memref<3072xi32, #tpu.memory_space<vmem>>)
        tpu.yield
      }) : () -> ()
      %scan3A_42 = arith.constant 0 : i32
      %scan3A_43 = arith.constant 0 : i32
      %scan3A_44 = arith.constant 12 : i32
      %scan3A_45 = arith.addi %scan3A_43, %scan3A_44 : i32
      %scan3A_46 = arith.constant 1 : i32
      %scan3A_47 = scf.for %scan3A_50 = %scan3A_43 to %scan3A_45 step %scan3A_46 iter_args(%scan3A_51 = %scan3A_42) -> (i32)  : i32 {
        %scan3A_52 = arith.constant 0 : i32
        %scan3A_53 = arith.constant 0 : i32
        %scan3A_54 = arith.constant 192 : i32
        %scan3A_55 = arith.addi %scan3A_53, %scan3A_54 : i32
        %scan3A_56 = arith.constant 4 : i32
        %scan3A_57 = scf.for %scan3A_62 = %scan3A_53 to %scan3A_55 step %scan3A_56 iter_args(%scan3A_63 = %scan3A_52) -> (i32)  : i32 {
          %mul3A_64 = arith.constant 16 : i32
          %mul3A_65 = arith.muli %scan3A_62, %mul3A_64 : i32
          %get3A = arith.index_cast %mul3A_65 : i32 to index
          %get3A_66 = tpu.vector_load %arg6[%get3A] {strides = array<i32>} : memref<3072xi32, #tpu.memory_space<vmem>>, vector<16xi32>,
          %mul3A_67 = arith.constant 16 : i32
          %mul3A_68 = arith.muli %scan3A_50, %mul3A_67 : i32
          %add3A_69 = vector.broadcast %mul3A_68 : i32 to vector<16xi32>
          %add3A_70 = arith.addi %get3A_66, %add3A_69 : vector<16xi32>
          %add3A_71 = arith.constant 0 : i32
          %add3A_72 = vector.broadcast %add3A_71 : i32 to vector<16xi32>
          %add3A_73 = arith.addi %add3A_70, %add3A_72 : vector<16xi32>
          %gather3A = tpu.vector_load_idx %arg5[%add3A_73] : memref<49152xf32, #tpu.memory_space<vmem>>[vector<16xi32>], vector<16xf32>,
          %mul3A_74 = arith.constant 16 : i32
          %mul3A_75 = arith.muli %scan3A_62, %mul3A_74 : i32
          %swap3A = arith.constant 0 : i32
          %swap3A_76 = arith.index_cast %swap3A : i32 to index
          %swap3A_77 = arith.index_cast %mul3A_75 : i32 to index
          %swap3A_78 = tpu.vector_load %arg7[%swap3A_76, %swap3A_77] {strides = array<i32>} : memref<16x3072xf32, #tpu.memory_space<vmem>>, vector<16xf32>,
          tpu.vector_store %arg7[%swap3A_76, %swap3A_77], %gather3A {strides = array<i32>} : memref<16x3072xf32, #tpu.memory_space<vmem>>, vector<16xf32>,
          %add3A_79 = arith.constant 1 : i32
          %add3A_80 = vector.broadcast %add3A_79 : i32 to vector<16xi32>
          %add3A_81 = arith.addi %add3A_70, %add3A_80 : vector<16xi32>
          %gather3A_82 = tpu.vector_load_idx %arg5[%add3A_81] : memref<49152xf32, #tpu.memory_space<vmem>>[vector<16xi32>], vector<16xf32>,
          %mul3A_83 = arith.constant 16 : i32
          %mul3A_84 = arith.muli %scan3A_62, %mul3A_83 : i32
          %swap3A_85 = arith.constant 1 : i32
          %swap3A_86 = arith.index_cast %swap3A_85 : i32 to index
          %swap3A_87 = arith.index_cast %mul3A_84 : i32 to index
          %swap3A_88 = tpu.vector_load %arg7[%swap3A_86, %swap3A_87] {strides = array<i32>} : memref<16x3072xf32, #tpu.memory_space<vmem>>, vector<16xf32>,
          tpu.vector_store %arg7[%swap3A_86, %swap3A_87], %gather3A_82 {strides = array<i32>} : memref<16x3072xf32, #tpu.memory_space<vmem>>, vector<16xf32>,
          %add3A_89 = arith.constant 2 : i32
          %add3A_90 = vector.broadcast %add3A_89 : i32 to vector<16xi32>
          %add3A_91 = arith.addi %add3A_70, %add3A_90 : vector<16xi32>
          %gather3A_92 = tpu.vector_load_idx %arg5[%add3A_91] : memref<49152xf32, #tpu.memory_space<vmem>>[vector<16xi32>], vector<16xf32>,
          %mul3A_93 = arith.constant 16 : i32
          %mul3A_94 = arith.muli %scan3A_62, %mul3A_93 : i32
          %swap3A_95 = arith.constant 2 : i32
          %swap3A_96 = arith.index_cast %swap3A_95 : i32 to index
          %swap3A_97 = arith.index_cast %mul3A_94 : i32 to index
          %swap3A_98 = tpu.vector_load %arg7[%swap3A_96, %swap3A_97] {strides = array<i32>} : memref<16x3072xf32, #tpu.memory_space<vmem>>, vector<16xf32>,
          tpu.vector_store %arg7[%swap3A_96, %swap3A_97], %gather3A_92 {strides = array<i32>} : memref<16x3072xf32, #tpu.memory_space<vmem>>, vector<16xf32>,
          %add3A_99 = arith.constant 3 : i32
          %add3A_100 = vector.broadcast %add3A_99 : i32 to vector<16xi32>
          %add3A_101 = arith.addi %add3A_70, %add3A_100 : vector<16xi32>
          %gather3A_102 = tpu.vector_load_idx %arg5[%add3A_101] : memref<49152xf32, #tpu.memory_space<vmem>>[vector<16xi32>], vector<16xf32>,
          %mul3A_103 = arith.constant 16 : i32
          %mul3A_104 = arith.muli %scan3A_62, %mul3A_103 : i32
          %swap3A_105 = arith.constant 3 : i32
          %swap3A_106 = arith.index_cast %swap3A_105 : i32 to index
          %swap3A_107 = arith.index_cast %mul3A_104 : i32 to index
          %swap3A_108 = tpu.vector_load %arg7[%swap3A_106, %swap3A_107] {strides = array<i32>} : memref<16x3072xf32, #tpu.memory_space<vmem>>, vector<16xf32>,
          tpu.vector_store %arg7[%swap3A_106, %swap3A_107], %gather3A_102 {strides = array<i32>} : memref<16x3072xf32, #tpu.memory_space<vmem>>, vector<16xf32>,
          %add3A_109 = arith.constant 4 : i32
          %add3A_110 = vector.broadcast %add3A_109 : i32 to vector<16xi32>
          %add3A_111 = arith.addi %add3A_70, %add3A_110 : vector<16xi32>
          %gather3A_112 = tpu.vector_load_idx %arg5[%add3A_111] : memref<49152xf32, #tpu.memory_space<vmem>>[vector<16xi32>], vector<16xf32>,
          %mul3A_113 = arith.constant 16 : i32
          %mul3A_114 = arith.muli %scan3A_62, %mul3A_113 : i32
          %swap3A_115 = arith.constant 4 : i32
          %swap3A_116 = arith.index_cast %swap3A_115 : i32 to index
          %swap3A_117 = arith.index_cast %mul3A_114 : i32 to index
          %swap3A_118 = tpu.vector_load %arg7[%swap3A_116, %swap3A_117] {strides = array<i32>} : memref<16x3072xf32, #tpu.memory_space<vmem>>, vector<16xf32>,
          tpu.vector_store %arg7[%swap3A_116, %swap3A_117], %gather3A_112 {strides = array<i32>} : memref<16x3072xf32, #tpu.memory_space<vmem>>, vector<16xf32>,
          %add3A_119 = arith.constant 5 : i32
          %add3A_120 = vector.broadcast %add3A_119 : i32 to vector<16xi32>
          %add3A_121 = arith.addi %add3A_70, %add3A_120 : vector<16xi32>
          %gather3A_122 = tpu.vector_load_idx %arg5[%add3A_121] : memref<49152xf32, #tpu.memory_space<vmem>>[vector<16xi32>], vector<16xf32>,
          %mul3A_123 = arith.constant 16 : i32
          %mul3A_124 = arith.muli %scan3A_62, %mul3A_123 : i32
          %swap3A_125 = arith.constant 5 : i32
          %swap3A_126 = arith.index_cast %swap3A_125 : i32 to index
          %swap3A_127 = arith.index_cast %mul3A_124 : i32 to index
          %swap3A_128 = tpu.vector_load %arg7[%swap3A_126, %swap3A_127] {strides = array<i32>} : memref<16x3072xf32, #tpu.memory_space<vmem>>, vector<16xf32>,
          tpu.vector_store %arg7[%swap3A_126, %swap3A_127], %gather3A_122 {strides = array<i32>} : memref<16x3072xf32, #tpu.memory_space<vmem>>, vector<16xf32>,
          %add3A_129 = arith.constant 6 : i32
          %add3A_130 = vector.broadcast %add3A_129 : i32 to vector<16xi32>
          %add3A_131 = arith.addi %add3A_70, %add3A_130 : vector<16xi32>
          %gather3A_132 = tpu.vector_load_idx %arg5[%add3A_131] : memref<49152xf32, #tpu.memory_space<vmem>>[vector<16xi32>], vector<16xf32>,
          %mul3A_133 = arith.constant 16 : i32
          %mul3A_134 = arith.muli %scan3A_62, %mul3A_133 : i32
          %swap3A_135 = arith.constant 6 : i32
          %swap3A_136 = arith.index_cast %swap3A_135 : i32 to index
          %swap3A_137 = arith.index_cast %mul3A_134 : i32 to index
          %swap3A_138 = tpu.vector_load %arg7[%swap3A_136, %swap3A_137] {strides = array<i32>} : memref<16x3072xf32, #tpu.memory_space<vmem>>, vector<16xf32>,
          tpu.vector_store %arg7[%swap3A_136, %swap3A_137], %gather3A_132 {strides = array<i32>} : memref<16x3072xf32, #tpu.memory_space<vmem>>, vector<16xf32>,
          %add3A_139 = arith.constant 7 : i32
          %add3A_140 = vector.broadcast %add3A_139 : i32 to vector<16xi32>
          %add3A_141 = arith.addi %add3A_70, %add3A_140 : vector<16xi32>
          %gather3A_142 = tpu.vector_load_idx %arg5[%add3A_141] : memref<49152xf32, #tpu.memory_space<vmem>>[vector<16xi32>], vector<16xf32>,
          %mul3A_143 = arith.constant 16 : i32
          %mul3A_144 = arith.muli %scan3A_62, %mul3A_143 : i32
          %swap3A_145 = arith.constant 7 : i32
          %swap3A_146 = arith.index_cast %swap3A_145 : i32 to index
          %swap3A_147 = arith.index_cast %mul3A_144 : i32 to index
          %swap3A_148 = tpu.vector_load %arg7[%swap3A_146, %swap3A_147] {strides = array<i32>} : memref<16x3072xf32, #tpu.memory_space<vmem>>, vector<16xf32>,
          tpu.vector_store %arg7[%swap3A_146, %swap3A_147], %gather3A_142 {strides = array<i32>} : memref<16x3072xf32, #tpu.memory_space<vmem>>, vector<16xf32>,
          %add3A_149 = arith.constant 8 : i32
          %add3A_150 = vector.broadcast %add3A_149 : i32 to vector<16xi32>
          %add3A_151 = arith.addi %add3A_70, %add3A_150 : vector<16xi32>
          %gather3A_152 = tpu.vector_load_idx %arg5[%add3A_151] : memref<49152xf32, #tpu.memory_space<vmem>>[vector<16xi32>], vector<16xf32>,
          %mul3A_153 = arith.constant 16 : i32
          %mul3A_154 = arith.muli %scan3A_62, %mul3A_153 : i32
          %swap3A_155 = arith.constant 8 : i32
          %swap3A_156 = arith.index_cast %swap3A_155 : i32 to index
          %swap3A_157 = arith.index_cast %mul3A_154 : i32 to index
          %swap3A_158 = tpu.vector_load %arg7[%swap3A_156, %swap3A_157] {strides = array<i32>} : memref<16x3072xf32, #tpu.memory_space<vmem>>, vector<16xf32>,
          tpu.vector_store %arg7[%swap3A_156, %swap3A_157], %gather3A_152 {strides = array<i32>} : memref<16x3072xf32, #tpu.memory_space<vmem>>, vector<16xf32>,
          %add3A_159 = arith.constant 9 : i32
          %add3A_160 = vector.broadcast %add3A_159 : i32 to vector<16xi32>
          %add3A_161 = arith.addi %add3A_70, %add3A_160 : vector<16xi32>
          %gather3A_162 = tpu.vector_load_idx %arg5[%add3A_161] : memref<49152xf32, #tpu.memory_space<vmem>>[vector<16xi32>], vector<16xf32>,
          %mul3A_163 = arith.constant 16 : i32
          %mul3A_164 = arith.muli %scan3A_62, %mul3A_163 : i32
          %swap3A_165 = arith.constant 9 : i32
          %swap3A_166 = arith.index_cast %swap3A_165 : i32 to index
          %swap3A_167 = arith.index_cast %mul3A_164 : i32 to index
          %swap3A_168 = tpu.vector_load %arg7[%swap3A_166, %swap3A_167] {strides = array<i32>} : memref<16x3072xf32, #tpu.memory_space<vmem>>, vector<16xf32>,
          tpu.vector_store %arg7[%swap3A_166, %swap3A_167], %gather3A_162 {strides = array<i32>} : memref<16x3072xf32, #tpu.memory_space<vmem>>, vector<16xf32>,
          %add3A_169 = arith.constant 10 : i32
          %add3A_170 = vector.broadcast %add3A_169 : i32 to vector<16xi32>
          %add3A_171 = arith.addi %add3A_70, %add3A_170 : vector<16xi32>
          %gather3A_172 = tpu.vector_load_idx %arg5[%add3A_171] : memref<49152xf32, #tpu.memory_space<vmem>>[vector<16xi32>], vector<16xf32>,
          %mul3A_173 = arith.constant 16 : i32
          %mul3A_174 = arith.muli %scan3A_62, %mul3A_173 : i32
          %swap3A_175 = arith.constant 10 : i32
          %swap3A_176 = arith.index_cast %swap3A_175 : i32 to index
          %swap3A_177 = arith.index_cast %mul3A_174 : i32 to index
          %swap3A_178 = tpu.vector_load %arg7[%swap3A_176, %swap3A_177] {strides = array<i32>} : memref<16x3072xf32, #tpu.memory_space<vmem>>, vector<16xf32>,
          tpu.vector_store %arg7[%swap3A_176, %swap3A_177], %gather3A_172 {strides = array<i32>} : memref<16x3072xf32, #tpu.memory_space<vmem>>, vector<16xf32>,
          %add3A_179 = arith.constant 11 : i32
          %add3A_180 = vector.broadcast %add3A_179 : i32 to vector<16xi32>
          %add3A_181 = arith.addi %add3A_70, %add3A_180 : vector<16xi32>
          %gather3A_182 = tpu.vector_load_idx %arg5[%add3A_181] : memref<49152xf32, #tpu.memory_space<vmem>>[vector<16xi32>], vector<16xf32>,
          %mul3A_183 = arith.constant 16 : i32
          %mul3A_184 = arith.muli %scan3A_62, %mul3A_183 : i32
          %swap3A_185 = arith.constant 11 : i32
          %swap3A_186 = arith.index_cast %swap3A_185 : i32 to index
          %swap3A_187 = arith.index_cast %mul3A_184 : i32 to index
          %swap3A_188 = tpu.vector_load %arg7[%swap3A_186, %swap3A_187] {strides = array<i32>} : memref<16x3072xf32, #tpu.memory_space<vmem>>, vector<16xf32>,
          tpu.vector_store %arg7[%swap3A_186, %swap3A_187], %gather3A_182 {strides = array<i32>} : memref<16x3072xf32, #tpu.memory_space<vmem>>, vector<16xf32>,
          %add3A_189 = arith.constant 12 : i32
          %add3A_190 = vector.broadcast %add3A_189 : i32 to vector<16xi32>
          %add3A_191 = arith.addi %add3A_70, %add3A_190 : vector<16xi32>
          %gather3A_192 = tpu.vector_load_idx %arg5[%add3A_191] : memref<49152xf32, #tpu.memory_space<vmem>>[vector<16xi32>], vector<16xf32>,
          %mul3A_193 = arith.constant 16 : i32
          %mul3A_194 = arith.muli %scan3A_62, %mul3A_193 : i32
          %swap3A_195 = arith.constant 12 : i32
          %swap3A_196 = arith.index_cast %swap3A_195 : i32 to index
          %swap3A_197 = arith.index_cast %mul3A_194 : i32 to index
          %swap3A_198 = tpu.vector_load %arg7[%swap3A_196, %swap3A_197] {strides = array<i32>} : memref<16x3072xf32, #tpu.memory_space<vmem>>, vector<16xf32>,
          tpu.vector_store %arg7[%swap3A_196, %swap3A_197], %gather3A_192 {strides = array<i32>} : memref<16x3072xf32, #tpu.memory_space<vmem>>, vector<16xf32>,
          %add3A_199 = arith.constant 13 : i32
          %add3A_200 = vector.broadcast %add3A_199 : i32 to vector<16xi32>
          %add3A_201 = arith.addi %add3A_70, %add3A_200 : vector<16xi32>
          %gather3A_202 = tpu.vector_load_idx %arg5[%add3A_201] : memref<49152xf32, #tpu.memory_space<vmem>>[vector<16xi32>], vector<16xf32>,
          %mul3A_203 = arith.constant 16 : i32
          %mul3A_204 = arith.muli %scan3A_62, %mul3A_203 : i32
          %swap3A_205 = arith.constant 13 : i32
          %swap3A_206 = arith.index_cast %swap3A_205 : i32 to index
          %swap3A_207 = arith.index_cast %mul3A_204 : i32 to index
          %swap3A_208 = tpu.vector_load %arg7[%swap3A_206, %swap3A_207] {strides = array<i32>} : memref<16x3072xf32, #tpu.memory_space<vmem>>, vector<16xf32>,
          tpu.vector_store %arg7[%swap3A_206, %swap3A_207], %gather3A_202 {strides = array<i32>} : memref<16x3072xf32, #tpu.memory_space<vmem>>, vector<16xf32>,
          %add3A_209 = arith.constant 14 : i32
          %add3A_210 = vector.broadcast %add3A_209 : i32 to vector<16xi32>
          %add3A_211 = arith.addi %add3A_70, %add3A_210 : vector<16xi32>
          %gather3A_212 = tpu.vector_load_idx %arg5[%add3A_211] : memref<49152xf32, #tpu.memory_space<vmem>>[vector<16xi32>], vector<16xf32>,
          %mul3A_213 = arith.constant 16 : i32
          %mul3A_214 = arith.muli %scan3A_62, %mul3A_213 : i32
          %swap3A_215 = arith.constant 14 : i32
          %swap3A_216 = arith.index_cast %swap3A_215 : i32 to index
          %swap3A_217 = arith.index_cast %mul3A_214 : i32 to index
          %swap3A_218 = tpu.vector_load %arg7[%swap3A_216, %swap3A_217] {strides = array<i32>} : memref<16x3072xf32, #tpu.memory_space<vmem>>, vector<16xf32>,
          tpu.vector_store %arg7[%swap3A_216, %swap3A_217], %gather3A_212 {strides = array<i32>} : memref<16x3072xf32, #tpu.memory_space<vmem>>, vector<16xf32>,
          %add3A_219 = arith.constant 15 : i32
          %add3A_220 = vector.broadcast %add3A_219 : i32 to vector<16xi32>
          %add3A_221 = arith.addi %add3A_70, %add3A_220 : vector<16xi32>
          %gather3A_222 = tpu.vector_load_idx %arg5[%add3A_221] : memref<49152xf32, #tpu.memory_space<vmem>>[vector<16xi32>], vector<16xf32>,
          %mul3A_223 = arith.constant 16 : i32
          %mul3A_224 = arith.muli %scan3A_62, %mul3A_223 : i32
          %swap3A_225 = arith.constant 15 : i32
          %swap3A_226 = arith.index_cast %swap3A_225 : i32 to index
          %swap3A_227 = arith.index_cast %mul3A_224 : i32 to index
          %swap3A_228 = tpu.vector_load %arg7[%swap3A_226, %swap3A_227] {strides = array<i32>} : memref<16x3072xf32, #tpu.memory_space<vmem>>, vector<16xf32>,
          tpu.vector_store %arg7[%swap3A_226, %swap3A_227], %gather3A_222 {strides = array<i32>} : memref<16x3072xf32, #tpu.memory_space<vmem>>, vector<16xf32>,
          %scan3A_229 = arith.constant 0 : i32
          %scan3A_230 = arith.constant 1 : i32
          %scan3A_231 = arith.addi %scan3A_62, %scan3A_230 : i32
          %mul3A_232 = arith.constant 16 : i32
          %mul3A_233 = arith.muli %scan3A_231, %mul3A_232 : i32
          %get3A_234 = arith.index_cast %mul3A_233 : i32 to index
          %get3A_235 = tpu.vector_load %arg6[%get3A_234] {strides = array<i32>} : memref<3072xi32, #tpu.memory_space<vmem>>, vector<16xi32>,
          %mul3A_236 = arith.constant 16 : i32
          %mul3A_237 = arith.muli %scan3A_50, %mul3A_236 : i32
          %add3A_238 = vector.broadcast %mul3A_237 : i32 to vector<16xi32>
          %add3A_239 = arith.addi %get3A_235, %add3A_238 : vector<16xi32>
          %add3A_240 = arith.constant 0 : i32
          %add3A_241 = vector.broadcast %add3A_240 : i32 to vector<16xi32>
          %add3A_242 = arith.addi %add3A_239, %add3A_241 : vector<16xi32>
          %gather3A_243 = tpu.vector_load_idx %arg5[%add3A_242] : memref<49152xf32, #tpu.memory_space<vmem>>[vector<16xi32>], vector<16xf32>,
          %mul3A_244 = arith.constant 16 : i32
          %mul3A_245 = arith.muli %scan3A_231, %mul3A_244 : i32
          %swap3A_246 = arith.constant 0 : i32
          %swap3A_247 = arith.index_cast %swap3A_246 : i32 to index
          %swap3A_248 = arith.index_cast %mul3A_245 : i32 to index
          %swap3A_249 = tpu.vector_load %arg7[%swap3A_247, %swap3A_248] {strides = array<i32>} : memref<16x3072xf32, #tpu.memory_space<vmem>>, vector<16xf32>,
          tpu.vector_store %arg7[%swap3A_247, %swap3A_248], %gather3A_243 {strides = array<i32>} : memref<16x3072xf32, #tpu.memory_space<vmem>>, vector<16xf32>,
          %add3A_250 = arith.constant 1 : i32
          %add3A_251 = vector.broadcast %add3A_250 : i32 to vector<16xi32>
          %add3A_252 = arith.addi %add3A_239, %add3A_251 : vector<16xi32>
          %gather3A_253 = tpu.vector_load_idx %arg5[%add3A_252] : memref<49152xf32, #tpu.memory_space<vmem>>[vector<16xi32>], vector<16xf32>,
          %mul3A_254 = arith.constant 16 : i32
          %mul3A_255 = arith.muli %scan3A_231, %mul3A_254 : i32
          %swap3A_256 = arith.constant 1 : i32
          %swap3A_257 = arith.index_cast %swap3A_256 : i32 to index
          %swap3A_258 = arith.index_cast %mul3A_255 : i32 to index
          %swap3A_259 = tpu.vector_load %arg7[%swap3A_257, %swap3A_258] {strides = array<i32>} : memref<16x3072xf32, #tpu.memory_space<vmem>>, vector<16xf32>,
          tpu.vector_store %arg7[%swap3A_257, %swap3A_258], %gather3A_253 {strides = array<i32>} : memref<16x3072xf32, #tpu.memory_space<vmem>>, vector<16xf32>,
          %add3A_260 = arith.constant 2 : i32
          %add3A_261 = vector.broadcast %add3A_260 : i32 to vector<16xi32>
          %add3A_262 = arith.addi %add3A_239, %add3A_261 : vector<16xi32>
          %gather3A_263 = tpu.vector_load_idx %arg5[%add3A_262] : memref<49152xf32, #tpu.memory_space<vmem>>[vector<16xi32>], vector<16xf32>,
          %mul3A_264 = arith.constant 16 : i32
          %mul3A_265 = arith.muli %scan3A_231, %mul3A_264 : i32
          %swap3A_266 = arith.constant 2 : i32
          %swap3A_267 = arith.index_cast %swap3A_266 : i32 to index
          %swap3A_268 = arith.index_cast %mul3A_265 : i32 to index
          %swap3A_269 = tpu.vector_load %arg7[%swap3A_267, %swap3A_268] {strides = array<i32>} : memref<16x3072xf32, #tpu.memory_space<vmem>>, vector<16xf32>,
          tpu.vector_store %arg7[%swap3A_267, %swap3A_268], %gather3A_263 {strides = array<i32>} : memref<16x3072xf32, #tpu.memory_space<vmem>>, vector<16xf32>,
          %add3A_270 = arith.constant 3 : i32
          %add3A_271 = vector.broadcast %add3A_270 : i32 to vector<16xi32>
          %add3A_272 = arith.addi %add3A_239, %add3A_271 : vector<16xi32>
          %gather3A_273 = tpu.vector_load_idx %arg5[%add3A_272] : memref<49152xf32, #tpu.memory_space<vmem>>[vector<16xi32>], vector<16xf32>,
          %mul3A_274 = arith.constant 16 : i32
          %mul3A_275 = arith.muli %scan3A_231, %mul3A_274 : i32
          %swap3A_276 = arith.constant 3 : i32
          %swap3A_277 = arith.index_cast %swap3A_276 : i32 to index
          %swap3A_278 = arith.index_cast %mul3A_275 : i32 to index
          %swap3A_279 = tpu.vector_load %arg7[%swap3A_277, %swap3A_278] {strides = array<i32>} : memref<16x3072xf32, #tpu.memory_space<vmem>>, vector<16xf32>,
          tpu.vector_store %arg7[%swap3A_277, %swap3A_278], %gather3A_273 {strides = array<i32>} : memref<16x3072xf32, #tpu.memory_space<vmem>>, vector<16xf32>,
          %add3A_280 = arith.constant 4 : i32
          %add3A_281 = vector.broadcast %add3A_280 : i32 to vector<16xi32>
          %add3A_282 = arith.addi %add3A_239, %add3A_281 : vector<16xi32>
          %gather3A_283 = tpu.vector_load_idx %arg5[%add3A_282] : memref<49152xf32, #tpu.memory_space<vmem>>[vector<16xi32>], vector<16xf32>,
          %mul3A_284 = arith.constant 16 : i32
          %mul3A_285 = arith.muli %scan3A_231, %mul3A_284 : i32
          %swap3A_286 = arith.constant 4 : i32
          %swap3A_287 = arith.index_cast %swap3A_286 : i32 to index
          %swap3A_288 = arith.index_cast %mul3A_285 : i32 to index
          %swap3A_289 = tpu.vector_load %arg7[%swap3A_287, %swap3A_288] {strides = array<i32>} : memref<16x3072xf32, #tpu.memory_space<vmem>>, vector<16xf32>,
          tpu.vector_store %arg7[%swap3A_287, %swap3A_288], %gather3A_283 {strides = array<i32>} : memref<16x3072xf32, #tpu.memory_space<vmem>>, vector<16xf32>,
          %add3A_290 = arith.constant 5 : i32
          %add3A_291 = vector.broadcast %add3A_290 : i32 to vector<16xi32>
          %add3A_292 = arith.addi %add3A_239, %add3A_291 : vector<16xi32>
          %gather3A_293 = tpu.vector_load_idx %arg5[%add3A_292] : memref<49152xf32, #tpu.memory_space<vmem>>[vector<16xi32>], vector<16xf32>,
          %mul3A_294 = arith.constant 16 : i32
          %mul3A_295 = arith.muli %scan3A_231, %mul3A_294 : i32
          %swap3A_296 = arith.constant 5 : i32
          %swap3A_297 = arith.index_cast %swap3A_296 : i32 to index
          %swap3A_298 = arith.index_cast %mul3A_295 : i32 to index
          %swap3A_299 = tpu.vector_load %arg7[%swap3A_297, %swap3A_298] {strides = array<i32>} : memref<16x3072xf32, #tpu.memory_space<vmem>>, vector<16xf32>,
          tpu.vector_store %arg7[%swap3A_297, %swap3A_298], %gather3A_293 {strides = array<i32>} : memref<16x3072xf32, #tpu.memory_space<vmem>>, vector<16xf32>,
          %add3A_300 = arith.constant 6 : i32
          %add3A_301 = vector.broadcast %add3A_300 : i32 to vector<16xi32>
          %add3A_302 = arith.addi %add3A_239, %add3A_301 : vector<16xi32>
          %gather3A_303 = tpu.vector_load_idx %arg5[%add3A_302] : memref<49152xf32, #tpu.memory_space<vmem>>[vector<16xi32>], vector<16xf32>,
          %mul3A_304 = arith.constant 16 : i32
          %mul3A_305 = arith.muli %scan3A_231, %mul3A_304 : i32
          %swap3A_306 = arith.constant 6 : i32
          %swap3A_307 = arith.index_cast %swap3A_306 : i32 to index
          %swap3A_308 = arith.index_cast %mul3A_305 : i32 to index
          %swap3A_309 = tpu.vector_load %arg7[%swap3A_307, %swap3A_308] {strides = array<i32>} : memref<16x3072xf32, #tpu.memory_space<vmem>>, vector<16xf32>,
          tpu.vector_store %arg7[%swap3A_307, %swap3A_308], %gather3A_303 {strides = array<i32>} : memref<16x3072xf32, #tpu.memory_space<vmem>>, vector<16xf32>,
          %add3A_310 = arith.constant 7 : i32
          %add3A_311 = vector.broadcast %add3A_310 : i32 to vector<16xi32>
          %add3A_312 = arith.addi %add3A_239, %add3A_311 : vector<16xi32>
          %gather3A_313 = tpu.vector_load_idx %arg5[%add3A_312] : memref<49152xf32, #tpu.memory_space<vmem>>[vector<16xi32>], vector<16xf32>,
          %mul3A_314 = arith.constant 16 : i32
          %mul3A_315 = arith.muli %scan3A_231, %mul3A_314 : i32
          %swap3A_316 = arith.constant 7 : i32
          %swap3A_317 = arith.index_cast %swap3A_316 : i32 to index
          %swap3A_318 = arith.index_cast %mul3A_315 : i32 to index
          %swap3A_319 = tpu.vector_load %arg7[%swap3A_317, %swap3A_318] {strides = array<i32>} : memref<16x3072xf32, #tpu.memory_space<vmem>>, vector<16xf32>,
          tpu.vector_store %arg7[%swap3A_317, %swap3A_318], %gather3A_313 {strides = array<i32>} : memref<16x3072xf32, #tpu.memory_space<vmem>>, vector<16xf32>,
          %add3A_320 = arith.constant 8 : i32
          %add3A_321 = vector.broadcast %add3A_320 : i32 to vector<16xi32>
          %add3A_322 = arith.addi %add3A_239, %add3A_321 : vector<16xi32>
          %gather3A_323 = tpu.vector_load_idx %arg5[%add3A_322] : memref<49152xf32, #tpu.memory_space<vmem>>[vector<16xi32>], vector<16xf32>,
          %mul3A_324 = arith.constant 16 : i32
          %mul3A_325 = arith.muli %scan3A_231, %mul3A_324 : i32
          %swap3A_326 = arith.constant 8 : i32
          %swap3A_327 = arith.index_cast %swap3A_326 : i32 to index
          %swap3A_328 = arith.index_cast %mul3A_325 : i32 to index
          %swap3A_329 = tpu.vector_load %arg7[%swap3A_327, %swap3A_328] {strides = array<i32>} : memref<16x3072xf32, #tpu.memory_space<vmem>>, vector<16xf32>,
          tpu.vector_store %arg7[%swap3A_327, %swap3A_328], %gather3A_323 {strides = array<i32>} : memref<16x3072xf32, #tpu.memory_space<vmem>>, vector<16xf32>,
          %add3A_330 = arith.constant 9 : i32
          %add3A_331 = vector.broadcast %add3A_330 : i32 to vector<16xi32>
          %add3A_332 = arith.addi %add3A_239, %add3A_331 : vector<16xi32>
          %gather3A_333 = tpu.vector_load_idx %arg5[%add3A_332] : memref<49152xf32, #tpu.memory_space<vmem>>[vector<16xi32>], vector<16xf32>,
          %mul3A_334 = arith.constant 16 : i32
          %mul3A_335 = arith.muli %scan3A_231, %mul3A_334 : i32
          %swap3A_336 = arith.constant 9 : i32
          %swap3A_337 = arith.index_cast %swap3A_336 : i32 to index
          %swap3A_338 = arith.index_cast %mul3A_335 : i32 to index
          %swap3A_339 = tpu.vector_load %arg7[%swap3A_337, %swap3A_338] {strides = array<i32>} : memref<16x3072xf32, #tpu.memory_space<vmem>>, vector<16xf32>,
          tpu.vector_store %arg7[%swap3A_337, %swap3A_338], %gather3A_333 {strides = array<i32>} : memref<16x3072xf32, #tpu.memory_space<vmem>>, vector<16xf32>,
          %add3A_340 = arith.constant 10 : i32
          %add3A_341 = vector.broadcast %add3A_340 : i32 to vector<16xi32>
          %add3A_342 = arith.addi %add3A_239, %add3A_341 : vector<16xi32>
          %gather3A_343 = tpu.vector_load_idx %arg5[%add3A_342] : memref<49152xf32, #tpu.memory_space<vmem>>[vector<16xi32>], vector<16xf32>,
          %mul3A_344 = arith.constant 16 : i32
          %mul3A_345 = arith.muli %scan3A_231, %mul3A_344 : i32
          %swap3A_346 = arith.constant 10 : i32
          %swap3A_347 = arith.index_cast %swap3A_346 : i32 to index
          %swap3A_348 = arith.index_cast %mul3A_345 : i32 to index
          %swap3A_349 = tpu.vector_load %arg7[%swap3A_347, %swap3A_348] {strides = array<i32>} : memref<16x3072xf32, #tpu.memory_space<vmem>>, vector<16xf32>,
          tpu.vector_store %arg7[%swap3A_347, %swap3A_348], %gather3A_343 {strides = array<i32>} : memref<16x3072xf32, #tpu.memory_space<vmem>>, vector<16xf32>,
          %add3A_350 = arith.constant 11 : i32
          %add3A_351 = vector.broadcast %add3A_350 : i32 to vector<16xi32>
          %add3A_352 = arith.addi %add3A_239, %add3A_351 : vector<16xi32>
          %gather3A_353 = tpu.vector_load_idx %arg5[%add3A_352] : memref<49152xf32, #tpu.memory_space<vmem>>[vector<16xi32>], vector<16xf32>,
          %mul3A_354 = arith.constant 16 : i32
          %mul3A_355 = arith.muli %scan3A_231, %mul3A_354 : i32
          %swap3A_356 = arith.constant 11 : i32
          %swap3A_357 = arith.index_cast %swap3A_356 : i32 to index
          %swap3A_358 = arith.index_cast %mul3A_355 : i32 to index
          %swap3A_359 = tpu.vector_load %arg7[%swap3A_357, %swap3A_358] {strides = array<i32>} : memref<16x3072xf32, #tpu.memory_space<vmem>>, vector<16xf32>,
          tpu.vector_store %arg7[%swap3A_357, %swap3A_358], %gather3A_353 {strides = array<i32>} : memref<16x3072xf32, #tpu.memory_space<vmem>>, vector<16xf32>,
          %add3A_360 = arith.constant 12 : i32
          %add3A_361 = vector.broadcast %add3A_360 : i32 to vector<16xi32>
          %add3A_362 = arith.addi %add3A_239, %add3A_361 : vector<16xi32>
          %gather3A_363 = tpu.vector_load_idx %arg5[%add3A_362] : memref<49152xf32, #tpu.memory_space<vmem>>[vector<16xi32>], vector<16xf32>,
          %mul3A_364 = arith.constant 16 : i32
          %mul3A_365 = arith.muli %scan3A_231, %mul3A_364 : i32
          %swap3A_366 = arith.constant 12 : i32
          %swap3A_367 = arith.index_cast %swap3A_366 : i32 to index
          %swap3A_368 = arith.index_cast %mul3A_365 : i32 to index
          %swap3A_369 = tpu.vector_load %arg7[%swap3A_367, %swap3A_368] {strides = array<i32>} : memref<16x3072xf32, #tpu.memory_space<vmem>>, vector<16xf32>,
          tpu.vector_store %arg7[%swap3A_367, %swap3A_368], %gather3A_363 {strides = array<i32>} : memref<16x3072xf32, #tpu.memory_space<vmem>>, vector<16xf32>,
          %add3A_370 = arith.constant 13 : i32
          %add3A_371 = vector.broadcast %add3A_370 : i32 to vector<16xi32>
          %add3A_372 = arith.addi %add3A_239, %add3A_371 : vector<16xi32>
          %gather3A_373 = tpu.vector_load_idx %arg5[%add3A_372] : memref<49152xf32, #tpu.memory_space<vmem>>[vector<16xi32>], vector<16xf32>,
          %mul3A_374 = arith.constant 16 : i32
          %mul3A_375 = arith.muli %scan3A_231, %mul3A_374 : i32
          %swap3A_376 = arith.constant 13 : i32
          %swap3A_377 = arith.index_cast %swap3A_376 : i32 to index
          %swap3A_378 = arith.index_cast %mul3A_375 : i32 to index
          %swap3A_379 = tpu.vector_load %arg7[%swap3A_377, %swap3A_378] {strides = array<i32>} : memref<16x3072xf32, #tpu.memory_space<vmem>>, vector<16xf32>,
          tpu.vector_store %arg7[%swap3A_377, %swap3A_378], %gather3A_373 {strides = array<i32>} : memref<16x3072xf32, #tpu.memory_space<vmem>>, vector<16xf32>,
          %add3A_380 = arith.constant 14 : i32
          %add3A_381 = vector.broadcast %add3A_380 : i32 to vector<16xi32>
          %add3A_382 = arith.addi %add3A_239, %add3A_381 : vector<16xi32>
          %gather3A_383 = tpu.vector_load_idx %arg5[%add3A_382] : memref<49152xf32, #tpu.memory_space<vmem>>[vector<16xi32>], vector<16xf32>,
          %mul3A_384 = arith.constant 16 : i32
          %mul3A_385 = arith.muli %scan3A_231, %mul3A_384 : i32
          %swap3A_386 = arith.constant 14 : i32
          %swap3A_387 = arith.index_cast %swap3A_386 : i32 to index
          %swap3A_388 = arith.index_cast %mul3A_385 : i32 to index
          %swap3A_389 = tpu.vector_load %arg7[%swap3A_387, %swap3A_388] {strides = array<i32>} : memref<16x3072xf32, #tpu.memory_space<vmem>>, vector<16xf32>,
          tpu.vector_store %arg7[%swap3A_387, %swap3A_388], %gather3A_383 {strides = array<i32>} : memref<16x3072xf32, #tpu.memory_space<vmem>>, vector<16xf32>,
          %add3A_390 = arith.constant 15 : i32
          %add3A_391 = vector.broadcast %add3A_390 : i32 to vector<16xi32>
          %add3A_392 = arith.addi %add3A_239, %add3A_391 : vector<16xi32>
          %gather3A_393 = tpu.vector_load_idx %arg5[%add3A_392] : memref<49152xf32, #tpu.memory_space<vmem>>[vector<16xi32>], vector<16xf32>,
          %mul3A_394 = arith.constant 16 : i32
          %mul3A_395 = arith.muli %scan3A_231, %mul3A_394 : i32
          %swap3A_396 = arith.constant 15 : i32
          %swap3A_397 = arith.index_cast %swap3A_396 : i32 to index
          %swap3A_398 = arith.index_cast %mul3A_395 : i32 to index
          %swap3A_399 = tpu.vector_load %arg7[%swap3A_397, %swap3A_398] {strides = array<i32>} : memref<16x3072xf32, #tpu.memory_space<vmem>>, vector<16xf32>,
          tpu.vector_store %arg7[%swap3A_397, %swap3A_398], %gather3A_393 {strides = array<i32>} : memref<16x3072xf32, #tpu.memory_space<vmem>>, vector<16xf32>,
          %scan3A_400 = arith.constant 0 : i32
          %scan3A_401 = arith.constant 2 : i32
          %scan3A_402 = arith.addi %scan3A_62, %scan3A_401 : i32
          %mul3A_403 = arith.constant 16 : i32
          %mul3A_404 = arith.muli %scan3A_402, %mul3A_403 : i32
          %get3A_405 = arith.index_cast %mul3A_404 : i32 to index
          %get3A_406 = tpu.vector_load %arg6[%get3A_405] {strides = array<i32>} : memref<3072xi32, #tpu.memory_space<vmem>>, vector<16xi32>,
          %mul3A_407 = arith.constant 16 : i32
          %mul3A_408 = arith.muli %scan3A_50, %mul3A_407 : i32
          %add3A_409 = vector.broadcast %mul3A_408 : i32 to vector<16xi32>
          %add3A_410 = arith.addi %get3A_406, %add3A_409 : vector<16xi32>
          %add3A_411 = arith.constant 0 : i32
          %add3A_412 = vector.broadcast %add3A_411 : i32 to vector<16xi32>
          %add3A_413 = arith.addi %add3A_410, %add3A_412 : vector<16xi32>
          %gather3A_414 = tpu.vector_load_idx %arg5[%add3A_413] : memref<49152xf32, #tpu.memory_space<vmem>>[vector<16xi32>], vector<16xf32>,
          %mul3A_415 = arith.constant 16 : i32
          %mul3A_416 = arith.muli %scan3A_402, %mul3A_415 : i32
          %swap3A_417 = arith.constant 0 : i32
          %swap3A_418 = arith.index_cast %swap3A_417 : i32 to index
          %swap3A_419 = arith.index_cast %mul3A_416 : i32 to index
          %swap3A_420 = tpu.vector_load %arg7[%swap3A_418, %swap3A_419] {strides = array<i32>} : memref<16x3072xf32, #tpu.memory_space<vmem>>, vector<16xf32>,
          tpu.vector_store %arg7[%swap3A_418, %swap3A_419], %gather3A_414 {strides = array<i32>} : memref<16x3072xf32, #tpu.memory_space<vmem>>, vector<16xf32>,
          %add3A_421 = arith.constant 1 : i32
          %add3A_422 = vector.broadcast %add3A_421 : i32 to vector<16xi32>
          %add3A_423 = arith.addi %add3A_410, %add3A_422 : vector<16xi32>
          %gather3A_424 = tpu.vector_load_idx %arg5[%add3A_423] : memref<49152xf32, #tpu.memory_space<vmem>>[vector<16xi32>], vector<16xf32>,
          %mul3A_425 = arith.constant 16 : i32
          %mul3A_426 = arith.muli %scan3A_402, %mul3A_425 : i32
          %swap3A_427 = arith.constant 1 : i32
          %swap3A_428 = arith.index_cast %swap3A_427 : i32 to index
          %swap3A_429 = arith.index_cast %mul3A_426 : i32 to index
          %swap3A_430 = tpu.vector_load %arg7[%swap3A_428, %swap3A_429] {strides = array<i32>} : memref<16x3072xf32, #tpu.memory_space<vmem>>, vector<16xf32>,
          tpu.vector_store %arg7[%swap3A_428, %swap3A_429], %gather3A_424 {strides = array<i32>} : memref<16x3072xf32, #tpu.memory_space<vmem>>, vector<16xf32>,
          %add3A_431 = arith.constant 2 : i32
          %add3A_432 = vector.broadcast %add3A_431 : i32 to vector<16xi32>
          %add3A_433 = arith.addi %add3A_410, %add3A_432 : vector<16xi32>
          %gather3A_434 = tpu.vector_load_idx %arg5[%add3A_433] : memref<49152xf32, #tpu.memory_space<vmem>>[vector<16xi32>], vector<16xf32>,
          %mul3A_435 = arith.constant 16 : i32
          %mul3A_436 = arith.muli %scan3A_402, %mul3A_435 : i32
          %swap3A_437 = arith.constant 2 : i32
          %swap3A_438 = arith.index_cast %swap3A_437 : i32 to index
          %swap3A_439 = arith.index_cast %mul3A_436 : i32 to index
          %swap3A_440 = tpu.vector_load %arg7[%swap3A_438, %swap3A_439] {strides = array<i32>} : memref<16x3072xf32, #tpu.memory_space<vmem>>, vector<16xf32>,
          tpu.vector_store %arg7[%swap3A_438, %swap3A_439], %gather3A_434 {strides = array<i32>} : memref<16x3072xf32, #tpu.memory_space<vmem>>, vector<16xf32>,
          %add3A_441 = arith.constant 3 : i32
          %add3A_442 = vector.broadcast %add3A_441 : i32 to vector<16xi32>
          %add3A_443 = arith.addi %add3A_410, %add3A_442 : vector<16xi32>
          %gather3A_444 = tpu.vector_load_idx %arg5[%add3A_443] : memref<49152xf32, #tpu.memory_space<vmem>>[vector<16xi32>], vector<16xf32>,
          %mul3A_445 = arith.constant 16 : i32
          %mul3A_446 = arith.muli %scan3A_402, %mul3A_445 : i32
          %swap3A_447 = arith.constant 3 : i32
          %swap3A_448 = arith.index_cast %swap3A_447 : i32 to index
          %swap3A_449 = arith.index_cast %mul3A_446 : i32 to index
          %swap3A_450 = tpu.vector_load %arg7[%swap3A_448, %swap3A_449] {strides = array<i32>} : memref<16x3072xf32, #tpu.memory_space<vmem>>, vector<16xf32>,
          tpu.vector_store %arg7[%swap3A_448, %swap3A_449], %gather3A_444 {strides = array<i32>} : memref<16x3072xf32, #tpu.memory_space<vmem>>, vector<16xf32>,
          %add3A_451 = arith.constant 4 : i32
          %add3A_452 = vector.broadcast %add3A_451 : i32 to vector<16xi32>
          %add3A_453 = arith.addi %add3A_410, %add3A_452 : vector<16xi32>
          %gather3A_454 = tpu.vector_load_idx %arg5[%add3A_453] : memref<49152xf32, #tpu.memory_space<vmem>>[vector<16xi32>], vector<16xf32>,
          %mul3A_455 = arith.constant 16 : i32
          %mul3A_456 = arith.muli %scan3A_402, %mul3A_455 : i32
          %swap3A_457 = arith.constant 4 : i32
          %swap3A_458 = arith.index_cast %swap3A_457 : i32 to index
          %swap3A_459 = arith.index_cast %mul3A_456 : i32 to index
          %swap3A_460 = tpu.vector_load %arg7[%swap3A_458, %swap3A_459] {strides = array<i32>} : memref<16x3072xf32, #tpu.memory_space<vmem>>, vector<16xf32>,
          tpu.vector_store %arg7[%swap3A_458, %swap3A_459], %gather3A_454 {strides = array<i32>} : memref<16x3072xf32, #tpu.memory_space<vmem>>, vector<16xf32>,
          %add3A_461 = arith.constant 5 : i32
          %add3A_462 = vector.broadcast %add3A_461 : i32 to vector<16xi32>
          %add3A_463 = arith.addi %add3A_410, %add3A_462 : vector<16xi32>
          %gather3A_464 = tpu.vector_load_idx %arg5[%add3A_463] : memref<49152xf32, #tpu.memory_space<vmem>>[vector<16xi32>], vector<16xf32>,
          %mul3A_465 = arith.constant 16 : i32
          %mul3A_466 = arith.muli %scan3A_402, %mul3A_465 : i32
          %swap3A_467 = arith.constant 5 : i32
          %swap3A_468 = arith.index_cast %swap3A_467 : i32 to index
          %swap3A_469 = arith.index_cast %mul3A_466 : i32 to index
          %swap3A_470 = tpu.vector_load %arg7[%swap3A_468, %swap3A_469] {strides = array<i32>} : memref<16x3072xf32, #tpu.memory_space<vmem>>, vector<16xf32>,
          tpu.vector_store %arg7[%swap3A_468, %swap3A_469], %gather3A_464 {strides = array<i32>} : memref<16x3072xf32, #tpu.memory_space<vmem>>, vector<16xf32>,
          %add3A_471 = arith.constant 6 : i32
          %add3A_472 = vector.broadcast %add3A_471 : i32 to vector<16xi32>
          %add3A_473 = arith.addi %add3A_410, %add3A_472 : vector<16xi32>
          %gather3A_474 = tpu.vector_load_idx %arg5[%add3A_473] : memref<49152xf32, #tpu.memory_space<vmem>>[vector<16xi32>], vector<16xf32>,
          %mul3A_475 = arith.constant 16 : i32
          %mul3A_476 = arith.muli %scan3A_402, %mul3A_475 : i32
          %swap3A_477 = arith.constant 6 : i32
          %swap3A_478 = arith.index_cast %swap3A_477 : i32 to index
          %swap3A_479 = arith.index_cast %mul3A_476 : i32 to index
          %swap3A_480 = tpu.vector_load %arg7[%swap3A_478, %swap3A_479] {strides = array<i32>} : memref<16x3072xf32, #tpu.memory_space<vmem>>, vector<16xf32>,
          tpu.vector_store %arg7[%swap3A_478, %swap3A_479], %gather3A_474 {strides = array<i32>} : memref<16x3072xf32, #tpu.memory_space<vmem>>, vector<16xf32>,
          %add3A_481 = arith.constant 7 : i32
          %add3A_482 = vector.broadcast %add3A_481 : i32 to vector<16xi32>
          %add3A_483 = arith.addi %add3A_410, %add3A_482 : vector<16xi32>
          %gather3A_484 = tpu.vector_load_idx %arg5[%add3A_483] : memref<49152xf32, #tpu.memory_space<vmem>>[vector<16xi32>], vector<16xf32>,
          %mul3A_485 = arith.constant 16 : i32
          %mul3A_486 = arith.muli %scan3A_402, %mul3A_485 : i32
          %swap3A_487 = arith.constant 7 : i32
          %swap3A_488 = arith.index_cast %swap3A_487 : i32 to index
          %swap3A_489 = arith.index_cast %mul3A_486 : i32 to index
          %swap3A_490 = tpu.vector_load %arg7[%swap3A_488, %swap3A_489] {strides = array<i32>} : memref<16x3072xf32, #tpu.memory_space<vmem>>, vector<16xf32>,
          tpu.vector_store %arg7[%swap3A_488, %swap3A_489], %gather3A_484 {strides = array<i32>} : memref<16x3072xf32, #tpu.memory_space<vmem>>, vector<16xf32>,
          %add3A_491 = arith.constant 8 : i32
          %add3A_492 = vector.broadcast %add3A_491 : i32 to vector<16xi32>
          %add3A_493 = arith.addi %add3A_410, %add3A_492 : vector<16xi32>
          %gather3A_494 = tpu.vector_load_idx %arg5[%add3A_493] : memref<49152xf32, #tpu.memory_space<vmem>>[vector<16xi32>], vector<16xf32>,
          %mul3A_495 = arith.constant 16 : i32
          %mul3A_496 = arith.muli %scan3A_402, %mul3A_495 : i32
          %swap3A_497 = arith.constant 8 : i32
          %swap3A_498 = arith.index_cast %swap3A_497 : i32 to index
          %swap3A_499 = arith.index_cast %mul3A_496 : i32 to index
          %swap3A_500 = tpu.vector_load %arg7[%swap3A_498, %swap3A_499] {strides = array<i32>} : memref<16x3072xf32, #tpu.memory_space<vmem>>, vector<16xf32>,
          tpu.vector_store %arg7[%swap3A_498, %swap3A_499], %gather3A_494 {strides = array<i32>} : memref<16x3072xf32, #tpu.memory_space<vmem>>, vector<16xf32>,
          %add3A_501 = arith.constant 9 : i32
          %add3A_502 = vector.broadcast %add3A_501 : i32 to vector<16xi32>
          %add3A_503 = arith.addi %add3A_410, %add3A_502 : vector<16xi32>
          %gather3A_504 = tpu.vector_load_idx %arg5[%add3A_503] : memref<49152xf32, #tpu.memory_space<vmem>>[vector<16xi32>], vector<16xf32>,
          %mul3A_505 = arith.constant 16 : i32
          %mul3A_506 = arith.muli %scan3A_402, %mul3A_505 : i32
          %swap3A_507 = arith.constant 9 : i32
          %swap3A_508 = arith.index_cast %swap3A_507 : i32 to index
          %swap3A_509 = arith.index_cast %mul3A_506 : i32 to index
          %swap3A_510 = tpu.vector_load %arg7[%swap3A_508, %swap3A_509] {strides = array<i32>} : memref<16x3072xf32, #tpu.memory_space<vmem>>, vector<16xf32>,
          tpu.vector_store %arg7[%swap3A_508, %swap3A_509], %gather3A_504 {strides = array<i32>} : memref<16x3072xf32, #tpu.memory_space<vmem>>, vector<16xf32>,
          %add3A_511 = arith.constant 10 : i32
          %add3A_512 = vector.broadcast %add3A_511 : i32 to vector<16xi32>
          %add3A_513 = arith.addi %add3A_410, %add3A_512 : vector<16xi32>
          %gather3A_514 = tpu.vector_load_idx %arg5[%add3A_513] : memref<49152xf32, #tpu.memory_space<vmem>>[vector<16xi32>], vector<16xf32>,
          %mul3A_515 = arith.constant 16 : i32
          %mul3A_516 = arith.muli %scan3A_402, %mul3A_515 : i32
          %swap3A_517 = arith.constant 10 : i32
          %swap3A_518 = arith.index_cast %swap3A_517 : i32 to index
          %swap3A_519 = arith.index_cast %mul3A_516 : i32 to index
          %swap3A_520 = tpu.vector_load %arg7[%swap3A_518, %swap3A_519] {strides = array<i32>} : memref<16x3072xf32, #tpu.memory_space<vmem>>, vector<16xf32>,
          tpu.vector_store %arg7[%swap3A_518, %swap3A_519], %gather3A_514 {strides = array<i32>} : memref<16x3072xf32, #tpu.memory_space<vmem>>, vector<16xf32>,
          %add3A_521 = arith.constant 11 : i32
          %add3A_522 = vector.broadcast %add3A_521 : i32 to vector<16xi32>
          %add3A_523 = arith.addi %add3A_410, %add3A_522 : vector<16xi32>
          %gather3A_524 = tpu.vector_load_idx %arg5[%add3A_523] : memref<49152xf32, #tpu.memory_space<vmem>>[vector<16xi32>], vector<16xf32>,
          %mul3A_525 = arith.constant 16 : i32
          %mul3A_526 = arith.muli %scan3A_402, %mul3A_525 : i32
          %swap3A_527 = arith.constant 11 : i32
          %swap3A_528 = arith.index_cast %swap3A_527 : i32 to index
          %swap3A_529 = arith.index_cast %mul3A_526 : i32 to index
          %swap3A_530 = tpu.vector_load %arg7[%swap3A_528, %swap3A_529] {strides = array<i32>} : memref<16x3072xf32, #tpu.memory_space<vmem>>, vector<16xf32>,
          tpu.vector_store %arg7[%swap3A_528, %swap3A_529], %gather3A_524 {strides = array<i32>} : memref<16x3072xf32, #tpu.memory_space<vmem>>, vector<16xf32>,
          %add3A_531 = arith.constant 12 : i32
          %add3A_532 = vector.broadcast %add3A_531 : i32 to vector<16xi32>
          %add3A_533 = arith.addi %add3A_410, %add3A_532 : vector<16xi32>
          %gather3A_534 = tpu.vector_load_idx %arg5[%add3A_533] : memref<49152xf32, #tpu.memory_space<vmem>>[vector<16xi32>], vector<16xf32>,
          %mul3A_535 = arith.constant 16 : i32
          %mul3A_536 = arith.muli %scan3A_402, %mul3A_535 : i32
          %swap3A_537 = arith.constant 12 : i32
          %swap3A_538 = arith.index_cast %swap3A_537 : i32 to index
          %swap3A_539 = arith.index_cast %mul3A_536 : i32 to index
          %swap3A_540 = tpu.vector_load %arg7[%swap3A_538, %swap3A_539] {strides = array<i32>} : memref<16x3072xf32, #tpu.memory_space<vmem>>, vector<16xf32>,
          tpu.vector_store %arg7[%swap3A_538, %swap3A_539], %gather3A_534 {strides = array<i32>} : memref<16x3072xf32, #tpu.memory_space<vmem>>, vector<16xf32>,
          %add3A_541 = arith.constant 13 : i32
          %add3A_542 = vector.broadcast %add3A_541 : i32 to vector<16xi32>
          %add3A_543 = arith.addi %add3A_410, %add3A_542 : vector<16xi32>
          %gather3A_544 = tpu.vector_load_idx %arg5[%add3A_543] : memref<49152xf32, #tpu.memory_space<vmem>>[vector<16xi32>], vector<16xf32>,
          %mul3A_545 = arith.constant 16 : i32
          %mul3A_546 = arith.muli %scan3A_402, %mul3A_545 : i32
          %swap3A_547 = arith.constant 13 : i32
          %swap3A_548 = arith.index_cast %swap3A_547 : i32 to index
          %swap3A_549 = arith.index_cast %mul3A_546 : i32 to index
          %swap3A_550 = tpu.vector_load %arg7[%swap3A_548, %swap3A_549] {strides = array<i32>} : memref<16x3072xf32, #tpu.memory_space<vmem>>, vector<16xf32>,
          tpu.vector_store %arg7[%swap3A_548, %swap3A_549], %gather3A_544 {strides = array<i32>} : memref<16x3072xf32, #tpu.memory_space<vmem>>, vector<16xf32>,
          %add3A_551 = arith.constant 14 : i32
          %add3A_552 = vector.broadcast %add3A_551 : i32 to vector<16xi32>
          %add3A_553 = arith.addi %add3A_410, %add3A_552 : vector<16xi32>
          %gather3A_554 = tpu.vector_load_idx %arg5[%add3A_553] : memref<49152xf32, #tpu.memory_space<vmem>>[vector<16xi32>], vector<16xf32>,
          %mul3A_555 = arith.constant 16 : i32
          %mul3A_556 = arith.muli %scan3A_402, %mul3A_555 : i32
          %swap3A_557 = arith.constant 14 : i32
          %swap3A_558 = arith.index_cast %swap3A_557 : i32 to index
          %swap3A_559 = arith.index_cast %mul3A_556 : i32 to index
          %swap3A_560 = tpu.vector_load %arg7[%swap3A_558, %swap3A_559] {strides = array<i32>} : memref<16x3072xf32, #tpu.memory_space<vmem>>, vector<16xf32>,
          tpu.vector_store %arg7[%swap3A_558, %swap3A_559], %gather3A_554 {strides = array<i32>} : memref<16x3072xf32, #tpu.memory_space<vmem>>, vector<16xf32>,
          %add3A_561 = arith.constant 15 : i32
          %add3A_562 = vector.broadcast %add3A_561 : i32 to vector<16xi32>
          %add3A_563 = arith.addi %add3A_410, %add3A_562 : vector<16xi32>
          %gather3A_564 = tpu.vector_load_idx %arg5[%add3A_563] : memref<49152xf32, #tpu.memory_space<vmem>>[vector<16xi32>], vector<16xf32>,
          %mul3A_565 = arith.constant 16 : i32
          %mul3A_566 = arith.muli %scan3A_402, %mul3A_565 : i32
          %swap3A_567 = arith.constant 15 : i32
          %swap3A_568 = arith.index_cast %swap3A_567 : i32 to index
          %swap3A_569 = arith.index_cast %mul3A_566 : i32 to index
          %swap3A_570 = tpu.vector_load %arg7[%swap3A_568, %swap3A_569] {strides = array<i32>} : memref<16x3072xf32, #tpu.memory_space<vmem>>, vector<16xf32>,
          tpu.vector_store %arg7[%swap3A_568, %swap3A_569], %gather3A_564 {strides = array<i32>} : memref<16x3072xf32, #tpu.memory_space<vmem>>, vector<16xf32>,
          %scan3A_571 = arith.constant 0 : i32
          %scan3A_572 = arith.constant 3 : i32
          %scan3A_573 = arith.addi %scan3A_62, %scan3A_572 : i32
          %mul3A_574 = arith.constant 16 : i32
          %mul3A_575 = arith.muli %scan3A_573, %mul3A_574 : i32
          %get3A_576 = arith.index_cast %mul3A_575 : i32 to index
          %get3A_577 = tpu.vector_load %arg6[%get3A_576] {strides = array<i32>} : memref<3072xi32, #tpu.memory_space<vmem>>, vector<16xi32>,
          %mul3A_578 = arith.constant 16 : i32
          %mul3A_579 = arith.muli %scan3A_50, %mul3A_578 : i32
          %add3A_580 = vector.broadcast %mul3A_579 : i32 to vector<16xi32>
          %add3A_581 = arith.addi %get3A_577, %add3A_580 : vector<16xi32>
          %add3A_582 = arith.constant 0 : i32
          %add3A_583 = vector.broadcast %add3A_582 : i32 to vector<16xi32>
          %add3A_584 = arith.addi %add3A_581, %add3A_583 : vector<16xi32>
          %gather3A_585 = tpu.vector_load_idx %arg5[%add3A_584] : memref<49152xf32, #tpu.memory_space<vmem>>[vector<16xi32>], vector<16xf32>,
          %mul3A_586 = arith.constant 16 : i32
          %mul3A_587 = arith.muli %scan3A_573, %mul3A_586 : i32
          %swap3A_588 = arith.constant 0 : i32
          %swap3A_589 = arith.index_cast %swap3A_588 : i32 to index
          %swap3A_590 = arith.index_cast %mul3A_587 : i32 to index
          %swap3A_591 = tpu.vector_load %arg7[%swap3A_589, %swap3A_590] {strides = array<i32>} : memref<16x3072xf32, #tpu.memory_space<vmem>>, vector<16xf32>,
          tpu.vector_store %arg7[%swap3A_589, %swap3A_590], %gather3A_585 {strides = array<i32>} : memref<16x3072xf32, #tpu.memory_space<vmem>>, vector<16xf32>,
          %add3A_592 = arith.constant 1 : i32
          %add3A_593 = vector.broadcast %add3A_592 : i32 to vector<16xi32>
          %add3A_594 = arith.addi %add3A_581, %add3A_593 : vector<16xi32>
          %gather3A_595 = tpu.vector_load_idx %arg5[%add3A_594] : memref<49152xf32, #tpu.memory_space<vmem>>[vector<16xi32>], vector<16xf32>,
          %mul3A_596 = arith.constant 16 : i32
          %mul3A_597 = arith.muli %scan3A_573, %mul3A_596 : i32
          %swap3A_598 = arith.constant 1 : i32
          %swap3A_599 = arith.index_cast %swap3A_598 : i32 to index
          %swap3A_600 = arith.index_cast %mul3A_597 : i32 to index
          %swap3A_601 = tpu.vector_load %arg7[%swap3A_599, %swap3A_600] {strides = array<i32>} : memref<16x3072xf32, #tpu.memory_space<vmem>>, vector<16xf32>,
          tpu.vector_store %arg7[%swap3A_599, %swap3A_600], %gather3A_595 {strides = array<i32>} : memref<16x3072xf32, #tpu.memory_space<vmem>>, vector<16xf32>,
          %add3A_602 = arith.constant 2 : i32
          %add3A_603 = vector.broadcast %add3A_602 : i32 to vector<16xi32>
          %add3A_604 = arith.addi %add3A_581, %add3A_603 : vector<16xi32>
          %gather3A_605 = tpu.vector_load_idx %arg5[%add3A_604] : memref<49152xf32, #tpu.memory_space<vmem>>[vector<16xi32>], vector<16xf32>,
          %mul3A_606 = arith.constant 16 : i32
          %mul3A_607 = arith.muli %scan3A_573, %mul3A_606 : i32
          %swap3A_608 = arith.constant 2 : i32
          %swap3A_609 = arith.index_cast %swap3A_608 : i32 to index
          %swap3A_610 = arith.index_cast %mul3A_607 : i32 to index
          %swap3A_611 = tpu.vector_load %arg7[%swap3A_609, %swap3A_610] {strides = array<i32>} : memref<16x3072xf32, #tpu.memory_space<vmem>>, vector<16xf32>,
          tpu.vector_store %arg7[%swap3A_609, %swap3A_610], %gather3A_605 {strides = array<i32>} : memref<16x3072xf32, #tpu.memory_space<vmem>>, vector<16xf32>,
          %add3A_612 = arith.constant 3 : i32
          %add3A_613 = vector.broadcast %add3A_612 : i32 to vector<16xi32>
          %add3A_614 = arith.addi %add3A_581, %add3A_613 : vector<16xi32>
          %gather3A_615 = tpu.vector_load_idx %arg5[%add3A_614] : memref<49152xf32, #tpu.memory_space<vmem>>[vector<16xi32>], vector<16xf32>,
          %mul3A_616 = arith.constant 16 : i32
          %mul3A_617 = arith.muli %scan3A_573, %mul3A_616 : i32
          %swap3A_618 = arith.constant 3 : i32
          %swap3A_619 = arith.index_cast %swap3A_618 : i32 to index
          %swap3A_620 = arith.index_cast %mul3A_617 : i32 to index
          %swap3A_621 = tpu.vector_load %arg7[%swap3A_619, %swap3A_620] {strides = array<i32>} : memref<16x3072xf32, #tpu.memory_space<vmem>>, vector<16xf32>,
          tpu.vector_store %arg7[%swap3A_619, %swap3A_620], %gather3A_615 {strides = array<i32>} : memref<16x3072xf32, #tpu.memory_space<vmem>>, vector<16xf32>,
          %add3A_622 = arith.constant 4 : i32
          %add3A_623 = vector.broadcast %add3A_622 : i32 to vector<16xi32>
          %add3A_624 = arith.addi %add3A_581, %add3A_623 : vector<16xi32>
          %gather3A_625 = tpu.vector_load_idx %arg5[%add3A_624] : memref<49152xf32, #tpu.memory_space<vmem>>[vector<16xi32>], vector<16xf32>,
          %mul3A_626 = arith.constant 16 : i32
          %mul3A_627 = arith.muli %scan3A_573, %mul3A_626 : i32
          %swap3A_628 = arith.constant 4 : i32
          %swap3A_629 = arith.index_cast %swap3A_628 : i32 to index
          %swap3A_630 = arith.index_cast %mul3A_627 : i32 to index
          %swap3A_631 = tpu.vector_load %arg7[%swap3A_629, %swap3A_630] {strides = array<i32>} : memref<16x3072xf32, #tpu.memory_space<vmem>>, vector<16xf32>,
          tpu.vector_store %arg7[%swap3A_629, %swap3A_630], %gather3A_625 {strides = array<i32>} : memref<16x3072xf32, #tpu.memory_space<vmem>>, vector<16xf32>,
          %add3A_632 = arith.constant 5 : i32
          %add3A_633 = vector.broadcast %add3A_632 : i32 to vector<16xi32>
          %add3A_634 = arith.addi %add3A_581, %add3A_633 : vector<16xi32>
          %gather3A_635 = tpu.vector_load_idx %arg5[%add3A_634] : memref<49152xf32, #tpu.memory_space<vmem>>[vector<16xi32>], vector<16xf32>,
          %mul3A_636 = arith.constant 16 : i32
          %mul3A_637 = arith.muli %scan3A_573, %mul3A_636 : i32
          %swap3A_638 = arith.constant 5 : i32
          %swap3A_639 = arith.index_cast %swap3A_638 : i32 to index
          %swap3A_640 = arith.index_cast %mul3A_637 : i32 to index
          %swap3A_641 = tpu.vector_load %arg7[%swap3A_639, %swap3A_640] {strides = array<i32>} : memref<16x3072xf32, #tpu.memory_space<vmem>>, vector<16xf32>,
          tpu.vector_store %arg7[%swap3A_639, %swap3A_640], %gather3A_635 {strides = array<i32>} : memref<16x3072xf32, #tpu.memory_space<vmem>>, vector<16xf32>,
          %add3A_642 = arith.constant 6 : i32
          %add3A_643 = vector.broadcast %add3A_642 : i32 to vector<16xi32>
          %add3A_644 = arith.addi %add3A_581, %add3A_643 : vector<16xi32>
          %gather3A_645 = tpu.vector_load_idx %arg5[%add3A_644] : memref<49152xf32, #tpu.memory_space<vmem>>[vector<16xi32>], vector<16xf32>,
          %mul3A_646 = arith.constant 16 : i32
          %mul3A_647 = arith.muli %scan3A_573, %mul3A_646 : i32
          %swap3A_648 = arith.constant 6 : i32
          %swap3A_649 = arith.index_cast %swap3A_648 : i32 to index
          %swap3A_650 = arith.index_cast %mul3A_647 : i32 to index
          %swap3A_651 = tpu.vector_load %arg7[%swap3A_649, %swap3A_650] {strides = array<i32>} : memref<16x3072xf32, #tpu.memory_space<vmem>>, vector<16xf32>,
          tpu.vector_store %arg7[%swap3A_649, %swap3A_650], %gather3A_645 {strides = array<i32>} : memref<16x3072xf32, #tpu.memory_space<vmem>>, vector<16xf32>,
          %add3A_652 = arith.constant 7 : i32
          %add3A_653 = vector.broadcast %add3A_652 : i32 to vector<16xi32>
          %add3A_654 = arith.addi %add3A_581, %add3A_653 : vector<16xi32>
          %gather3A_655 = tpu.vector_load_idx %arg5[%add3A_654] : memref<49152xf32, #tpu.memory_space<vmem>>[vector<16xi32>], vector<16xf32>,
          %mul3A_656 = arith.constant 16 : i32
          %mul3A_657 = arith.muli %scan3A_573, %mul3A_656 : i32
          %swap3A_658 = arith.constant 7 : i32
          %swap3A_659 = arith.index_cast %swap3A_658 : i32 to index
          %swap3A_660 = arith.index_cast %mul3A_657 : i32 to index
          %swap3A_661 = tpu.vector_load %arg7[%swap3A_659, %swap3A_660] {strides = array<i32>} : memref<16x3072xf32, #tpu.memory_space<vmem>>, vector<16xf32>,
          tpu.vector_store %arg7[%swap3A_659, %swap3A_660], %gather3A_655 {strides = array<i32>} : memref<16x3072xf32, #tpu.memory_space<vmem>>, vector<16xf32>,
          %add3A_662 = arith.constant 8 : i32
          %add3A_663 = vector.broadcast %add3A_662 : i32 to vector<16xi32>
          %add3A_664 = arith.addi %add3A_581, %add3A_663 : vector<16xi32>
          %gather3A_665 = tpu.vector_load_idx %arg5[%add3A_664] : memref<49152xf32, #tpu.memory_space<vmem>>[vector<16xi32>], vector<16xf32>,
          %mul3A_666 = arith.constant 16 : i32
          %mul3A_667 = arith.muli %scan3A_573, %mul3A_666 : i32
          %swap3A_668 = arith.constant 8 : i32
          %swap3A_669 = arith.index_cast %swap3A_668 : i32 to index
          %swap3A_670 = arith.index_cast %mul3A_667 : i32 to index
          %swap3A_671 = tpu.vector_load %arg7[%swap3A_669, %swap3A_670] {strides = array<i32>} : memref<16x3072xf32, #tpu.memory_space<vmem>>, vector<16xf32>,
          tpu.vector_store %arg7[%swap3A_669, %swap3A_670], %gather3A_665 {strides = array<i32>} : memref<16x3072xf32, #tpu.memory_space<vmem>>, vector<16xf32>,
          %add3A_672 = arith.constant 9 : i32
          %add3A_673 = vector.broadcast %add3A_672 : i32 to vector<16xi32>
          %add3A_674 = arith.addi %add3A_581, %add3A_673 : vector<16xi32>
          %gather3A_675 = tpu.vector_load_idx %arg5[%add3A_674] : memref<49152xf32, #tpu.memory_space<vmem>>[vector<16xi32>], vector<16xf32>,
          %mul3A_676 = arith.constant 16 : i32
          %mul3A_677 = arith.muli %scan3A_573, %mul3A_676 : i32
          %swap3A_678 = arith.constant 9 : i32
          %swap3A_679 = arith.index_cast %swap3A_678 : i32 to index
          %swap3A_680 = arith.index_cast %mul3A_677 : i32 to index
          %swap3A_681 = tpu.vector_load %arg7[%swap3A_679, %swap3A_680] {strides = array<i32>} : memref<16x3072xf32, #tpu.memory_space<vmem>>, vector<16xf32>,
          tpu.vector_store %arg7[%swap3A_679, %swap3A_680], %gather3A_675 {strides = array<i32>} : memref<16x3072xf32, #tpu.memory_space<vmem>>, vector<16xf32>,
          %add3A_682 = arith.constant 10 : i32
          %add3A_683 = vector.broadcast %add3A_682 : i32 to vector<16xi32>
          %add3A_684 = arith.addi %add3A_581, %add3A_683 : vector<16xi32>
          %gather3A_685 = tpu.vector_load_idx %arg5[%add3A_684] : memref<49152xf32, #tpu.memory_space<vmem>>[vector<16xi32>], vector<16xf32>,
          %mul3A_686 = arith.constant 16 : i32
          %mul3A_687 = arith.muli %scan3A_573, %mul3A_686 : i32
          %swap3A_688 = arith.constant 10 : i32
          %swap3A_689 = arith.index_cast %swap3A_688 : i32 to index
          %swap3A_690 = arith.index_cast %mul3A_687 : i32 to index
          %swap3A_691 = tpu.vector_load %arg7[%swap3A_689, %swap3A_690] {strides = array<i32>} : memref<16x3072xf32, #tpu.memory_space<vmem>>, vector<16xf32>,
          tpu.vector_store %arg7[%swap3A_689, %swap3A_690], %gather3A_685 {strides = array<i32>} : memref<16x3072xf32, #tpu.memory_space<vmem>>, vector<16xf32>,
          %add3A_692 = arith.constant 11 : i32
          %add3A_693 = vector.broadcast %add3A_692 : i32 to vector<16xi32>
          %add3A_694 = arith.addi %add3A_581, %add3A_693 : vector<16xi32>
          %gather3A_695 = tpu.vector_load_idx %arg5[%add3A_694] : memref<49152xf32, #tpu.memory_space<vmem>>[vector<16xi32>], vector<16xf32>,
          %mul3A_696 = arith.constant 16 : i32
          %mul3A_697 = arith.muli %scan3A_573, %mul3A_696 : i32
          %swap3A_698 = arith.constant 11 : i32
          %swap3A_699 = arith.index_cast %swap3A_698 : i32 to index
          %swap3A_700 = arith.index_cast %mul3A_697 : i32 to index
          %swap3A_701 = tpu.vector_load %arg7[%swap3A_699, %swap3A_700] {strides = array<i32>} : memref<16x3072xf32, #tpu.memory_space<vmem>>, vector<16xf32>,
          tpu.vector_store %arg7[%swap3A_699, %swap3A_700], %gather3A_695 {strides = array<i32>} : memref<16x3072xf32, #tpu.memory_space<vmem>>, vector<16xf32>,
          %add3A_702 = arith.constant 12 : i32
          %add3A_703 = vector.broadcast %add3A_702 : i32 to vector<16xi32>
          %add3A_704 = arith.addi %add3A_581, %add3A_703 : vector<16xi32>
          %gather3A_705 = tpu.vector_load_idx %arg5[%add3A_704] : memref<49152xf32, #tpu.memory_space<vmem>>[vector<16xi32>], vector<16xf32>,
          %mul3A_706 = arith.constant 16 : i32
          %mul3A_707 = arith.muli %scan3A_573, %mul3A_706 : i32
          %swap3A_708 = arith.constant 12 : i32
          %swap3A_709 = arith.index_cast %swap3A_708 : i32 to index
          %swap3A_710 = arith.index_cast %mul3A_707 : i32 to index
          %swap3A_711 = tpu.vector_load %arg7[%swap3A_709, %swap3A_710] {strides = array<i32>} : memref<16x3072xf32, #tpu.memory_space<vmem>>, vector<16xf32>,
          tpu.vector_store %arg7[%swap3A_709, %swap3A_710], %gather3A_705 {strides = array<i32>} : memref<16x3072xf32, #tpu.memory_space<vmem>>, vector<16xf32>,
          %add3A_712 = arith.constant 13 : i32
          %add3A_713 = vector.broadcast %add3A_712 : i32 to vector<16xi32>
          %add3A_714 = arith.addi %add3A_581, %add3A_713 : vector<16xi32>
          %gather3A_715 = tpu.vector_load_idx %arg5[%add3A_714] : memref<49152xf32, #tpu.memory_space<vmem>>[vector<16xi32>], vector<16xf32>,
          %mul3A_716 = arith.constant 16 : i32
          %mul3A_717 = arith.muli %scan3A_573, %mul3A_716 : i32
          %swap3A_718 = arith.constant 13 : i32
          %swap3A_719 = arith.index_cast %swap3A_718 : i32 to index
          %swap3A_720 = arith.index_cast %mul3A_717 : i32 to index
          %swap3A_721 = tpu.vector_load %arg7[%swap3A_719, %swap3A_720] {strides = array<i32>} : memref<16x3072xf32, #tpu.memory_space<vmem>>, vector<16xf32>,
          tpu.vector_store %arg7[%swap3A_719, %swap3A_720], %gather3A_715 {strides = array<i32>} : memref<16x3072xf32, #tpu.memory_space<vmem>>, vector<16xf32>,
          %add3A_722 = arith.constant 14 : i32
          %add3A_723 = vector.broadcast %add3A_722 : i32 to vector<16xi32>
          %add3A_724 = arith.addi %add3A_581, %add3A_723 : vector<16xi32>
          %gather3A_725 = tpu.vector_load_idx %arg5[%add3A_724] : memref<49152xf32, #tpu.memory_space<vmem>>[vector<16xi32>], vector<16xf32>,
          %mul3A_726 = arith.constant 16 : i32
          %mul3A_727 = arith.muli %scan3A_573, %mul3A_726 : i32
          %swap3A_728 = arith.constant 14 : i32
          %swap3A_729 = arith.index_cast %swap3A_728 : i32 to index
          %swap3A_730 = arith.index_cast %mul3A_727 : i32 to index
          %swap3A_731 = tpu.vector_load %arg7[%swap3A_729, %swap3A_730] {strides = array<i32>} : memref<16x3072xf32, #tpu.memory_space<vmem>>, vector<16xf32>,
          tpu.vector_store %arg7[%swap3A_729, %swap3A_730], %gather3A_725 {strides = array<i32>} : memref<16x3072xf32, #tpu.memory_space<vmem>>, vector<16xf32>,
          %add3A_732 = arith.constant 15 : i32
          %add3A_733 = vector.broadcast %add3A_732 : i32 to vector<16xi32>
          %add3A_734 = arith.addi %add3A_581, %add3A_733 : vector<16xi32>
          %gather3A_735 = tpu.vector_load_idx %arg5[%add3A_734] : memref<49152xf32, #tpu.memory_space<vmem>>[vector<16xi32>], vector<16xf32>,
          %mul3A_736 = arith.constant 16 : i32
          %mul3A_737 = arith.muli %scan3A_573, %mul3A_736 : i32
          %swap3A_738 = arith.constant 15 : i32
          %swap3A_739 = arith.index_cast %swap3A_738 : i32 to index
          %swap3A_740 = arith.index_cast %mul3A_737 : i32 to index
          %swap3A_741 = tpu.vector_load %arg7[%swap3A_739, %swap3A_740] {strides = array<i32>} : memref<16x3072xf32, #tpu.memory_space<vmem>>, vector<16xf32>,
          tpu.vector_store %arg7[%swap3A_739, %swap3A_740], %gather3A_735 {strides = array<i32>} : memref<16x3072xf32, #tpu.memory_space<vmem>>, vector<16xf32>,
          %scan3A_742 = arith.constant 0 : i32
          scf.yield %scan3A_742 : i32
        }
        %scan3A_58 = arith.constant 192 : i32
        %mul3A_59 = arith.constant 16 : i32
        %mul3A_60 = arith.muli %scan3A_50, %mul3A_59 : i32
        "tpu.region"() ({
          %run_scoped3A = tpu.sem_alloc : memref<!tpu.dma_semaphore, #tpu.memory_space<semaphore_mem>>
          %dma_start3A = arith.constant 0 : i32
          %dma_start3A_62 = tpu.memref_slice %arg4[%select_n3A, %mul3A_60, %select_n3A_41, %dma_start3A] : memref<2x192x48x3072xf32, #tpu.memory_space<hbm>> -> memref<1x16x1x3072xf32, #tpu.memory_space<hbm>>
          %dma_start3A_63 = tpu.memref_squeeze %dma_start3A_62 : memref<1x16x1x3072xf32, #tpu.memory_space<hbm>> -> memref<16x3072xf32, #tpu.memory_space<hbm>>
          %dma_start3A_64 = arith.constant 0 : i32
          %dma_start3A_65 = tpu.memref_slice %arg4[%select_n3A, %mul3A_60, %select_n3A_41, %dma_start3A_64] : memref<2x192x48x3072xf32, #tpu.memory_space<hbm>> -> memref<1x16x1x3072xf32, #tpu.memory_space<hbm>>
          %dma_start3A_66 = tpu.memref_squeeze %dma_start3A_65 : memref<1x16x1x3072xf32, #tpu.memory_space<hbm>> -> memref<16x3072xf32, #tpu.memory_space<hbm>>
          tpu.enqueue_dma source(%arg7 : memref<16x3072xf32, #tpu.memory_space<vmem>>) target(%dma_start3A_66 : memref<16x3072xf32, #tpu.memory_space<hbm>>) target_semaphore(%run_scoped3A : memref<!tpu.dma_semaphore, #tpu.memory_space<semaphore_mem>>)
          %dma_wait3A = arith.constant 0 : i32
          %dma_wait3A_67 = tpu.memref_slice %arg4[%select_n3A, %mul3A_60, %select_n3A_41, %dma_wait3A] : memref<2x192x48x3072xf32, #tpu.memory_space<hbm>> -> memref<1x16x1x3072xf32, #tpu.memory_space<hbm>>
          %dma_wait3A_68 = tpu.memref_squeeze %dma_wait3A_67 : memref<1x16x1x3072xf32, #tpu.memory_space<hbm>> -> memref<16x3072xf32, #tpu.memory_space<hbm>>
          %dma_wait3A_69 = arith.constant 0 : i32
          %dma_wait3A_70 = tpu.memref_slice %arg4[%select_n3A, %mul3A_60, %select_n3A_41, %dma_wait3A_69] : memref<2x192x48x3072xf32, #tpu.memory_space<hbm>> -> memref<1x16x1x3072xf32, #tpu.memory_space<hbm>>
          %dma_wait3A_71 = tpu.memref_squeeze %dma_wait3A_70 : memref<1x16x1x3072xf32, #tpu.memory_space<hbm>> -> memref<16x3072xf32, #tpu.memory_space<hbm>>
          tpu.wait_dma2 semaphore(%run_scoped3A : memref<!tpu.dma_semaphore, #tpu.memory_space<semaphore_mem>>) src(%arg7 : memref<16x3072xf32, #tpu.memory_space<vmem>>) dst(%dma_wait3A_71 : memref<16x3072xf32, #tpu.memory_space<hbm>>)
          tpu.yield
        }) : () -> ()
        %scan3A_61 = arith.constant 0 : i32
        scf.yield %scan3A_61 : i32
      }
      %scan3A_48 = arith.constant 12 : i32
      %scan3A_49 = arith.constant 0 : i32
      scf.yield %scan3A_49 : i32
    }
    %scan3A_6 = arith.constant 3 : i32
    return
  }
}

module attributes {stable_mosaic.version = 14 : i64} {
  func.func @_means_body(%arg0: i32, %arg1: memref<1x192x576xf32, #tpu.memory_space<vmem>>, %arg2: memref<1x1x576xi32, #tpu.memory_space<vmem>>, %arg3: memref<1x128x192xf32, #tpu.memory_space<vmem>>) attributes {dimension_semantics = [#tpu.dimension_semantics<arbitrary>], iteration_bounds = array<i64: 2>, scalar_prefetch = 0 : i64, scratch_operands = 0 : i64, tpu.core_type = #tpu.core_type<tc>, window_params = [{transform_indices = @transform_0, window_bounds = array<i64: 1, 192, 576>}, {transform_indices = @transform_1, window_bounds = array<i64: 1, 1, 576>}, {transform_indices = @transform_2, window_bounds = array<i64: 1, 128, 192>}]} {
    %get3A = arith.constant 0 : index
    %get3A_0 = arith.constant 0 : index
    %get3A_1 = arith.constant 0 : index
    %get3A_2 = vector.load %arg2[%get3A, %get3A_0, %get3A_1] : memref<1x1x576xi32, #tpu.memory_space<vmem>>, vector<1x1x576xi32>
    %get3A_3 = vector.shape_cast %get3A_2 : vector<1x1x576xi32> to vector<1x576xi32>
    %jit3A = arith.constant 0 : i32
    %jit3A_4 = arith.constant 127 : i32
    %max3A = vector.broadcast %jit3A : i32 to vector<1x576xi32>
    %max3A_5 = arith.maxsi %max3A, %get3A_3 : vector<1x576xi32>
    %min3A = vector.broadcast %jit3A_4 : i32 to vector<1x576xi32>
    %min3A_6 = arith.minsi %min3A, %max3A_5 : vector<1x576xi32>
    %iota3A = tpu.iota {dimensions = array<i32: 0>} : vector<128x576xi32>
    %eq3A = vector.broadcast %min3A_6 : vector<1x576xi32> to vector<128x576xi32>
    %eq3A_7 = arith.cmpi eq, %iota3A, %eq3A : vector<128x576xi32>
    %convert_element_type3A = arith.extui %eq3A_7 : vector<128x576xi1> to vector<128x576xi32>
    %convert_element_type3A_8 = arith.sitofp %convert_element_type3A : vector<128x576xi32> to vector<128x576xf32>
    %get3A_9 = arith.constant 0 : index
    %get3A_10 = arith.constant 0 : index
    %get3A_11 = arith.constant 0 : index
    %get3A_12 = vector.load %arg1[%get3A_9, %get3A_10, %get3A_11] : memref<1x192x576xf32, #tpu.memory_space<vmem>>, vector<1x192x576xf32>
    %get3A_13 = vector.shape_cast %get3A_12 : vector<1x192x576xf32> to vector<192x576xf32>
    %dot_general3A = arith.constant dense<0.000000e+00> : vector<128x192xf32>
    %dot_general3A_14 = tpu.matmul %convert_element_type3A_8, %get3A_13, %dot_general3A {dimension_numbers = #tpu.dot_dimension_numbers<[1], [1], [0], [0], [0, 0, 1, 0], [], []>, precision = #tpu.contract_precision<fp32>, transpose_lhs_hint = false} : vector<128x576xf32>, vector<192x576xf32>, vector<128x192xf32> -> vector<128x192xf32>
    %reduce_sum3A = arith.constant dense<0.000000e+00> : vector<128xf32>
    %reduce_sum3A_15 = vector.multi_reduction <add>, %convert_element_type3A_8, %reduce_sum3A [1] : vector<128x576xf32> to vector<128xf32>
    %max3A_16 = arith.constant 1.000000e+00 : f32
    %max3A_17 = vector.broadcast %max3A_16 : f32 to vector<128xf32>
    %max3A_18 = arith.maximumf %reduce_sum3A_15, %max3A_17 : vector<128xf32>
    %broadcast_in_dim3A = vector.shape_cast %max3A_18 : vector<128xf32> to vector<128x1xf32>
    %div3A = vector.broadcast %broadcast_in_dim3A : vector<128x1xf32> to vector<128x192xf32>
    %div3A_19 = arith.divf %dot_general3A_14, %div3A : vector<128x192xf32>
    %swap3A = arith.constant 0 : index
    %swap3A_20 = arith.constant 0 : index
    %swap3A_21 = arith.constant 0 : index
    %swap3A_22 = vector.load %arg3[%swap3A, %swap3A_20, %swap3A_21] : memref<1x128x192xf32, #tpu.memory_space<vmem>>, vector<1x128x192xf32>
    %swap3A_23 = vector.shape_cast %swap3A_22 : vector<1x128x192xf32> to vector<128x192xf32>
    %swap3A_24 = vector.shape_cast %div3A_19 : vector<128x192xf32> to vector<1x128x192xf32>
    tpu.vector_store %arg3[%swap3A, %swap3A_20, %swap3A_21], %swap3A_24 {strides = array<i32>} : memref<1x128x192xf32, #tpu.memory_space<vmem>>, vector<1x128x192xf32>,
    return
  }
  func.func @transform_0(%arg0: i32) -> (i32, i32, i32) {
    %c0_i32 = arith.constant 0 : i32
    %c0_i32_0 = arith.constant 0 : i32
    %c0_i32_1 = arith.constant 0 : i32
    return %arg0, %c0_i32, %c0_i32_0 : i32, i32, i32
  }
  func.func @transform_1(%arg0: i32) -> (i32, i32, i32) {
    %c0_i32 = arith.constant 0 : i32
    %c0_i32_0 = arith.constant 0 : i32
    %c0_i32_1 = arith.constant 0 : i32
    return %arg0, %c0_i32, %c0_i32_0 : i32, i32, i32
  }
  func.func @transform_2(%arg0: i32) -> (i32, i32, i32) {
    %c0_i32 = arith.constant 0 : i32
    %c0_i32_0 = arith.constant 0 : i32
    %c0_i32_1 = arith.constant 0 : i32
    return %arg0, %c0_i32, %c0_i32_0 : i32, i32, i32
  }
}

</mosaic_0001>

<sc_bundles>
// kernel: kernel.4.cloned.1.call-start
scs
__scs_entry_jumppad:
0x0: {  	(pc) =	sbr.rel $0x88, $3  }
0x1: {  	(tag) =	ssettag $0x0;
	lr =	simm.s32 $0x1  }
0x2: {  	[smem:$0x3F9F] =	sst lr;
	_ =	strace $0xD0000000  }
0x3: {  	_ = 	snop  }
0x4: {  	_ = 	snop  }
0x5: {  	_ = 	snop  }
0x6: {  	_ = 	snop  }
0x7: {  	_ = 	snop  }
__scs_overlays_trampoline_lowered:
0x8: {  	[smem:$0x3FAE] =	sst s0  }
0x9: {  	[smem:$0x3FAF] =	sst s1  }
0xa: {  	[smem:$0x3FB0] =	sst s2  }
0xb: {  	[smem:$0x3FB1] =	sst s3  }
0xc: {  	[smem:$0x3FB2] =	sst s4  }
0xd: {  	[smem:$0x3FB3] =	sst s5  }
0xe: {  	[smem:$0x3FB4] =	sst s6  }
0xf: {  	[smem:$0x3FB5] =	sst s7  }
0x10: {  	[smem:$0x3FB6] =	sst s8  }
0x11: {  	[smem:$0x3FB7] =	sst s9;
	s0 =	simm.s32 @!p0 $0x0  }
0x12: {  	s1 =	sld [smem:$0x3F9D];
	s0 =	simm.s32 @p0 $0x1  }
0x13: {  	[smem:$0x3FB8] =	sst s0;
	s0 =	simm.s32 @!p1 $0x0  }
0x14: {  	s2 =	sld [smem:$0x3F9C];
	s0 =	simm.s32 @p1 $0x1  }
0x15: {  	[smem:$0x3FB9] =	sst s0;
	s0 =	simm.s32 @!p2 $0x0  }
0x16: {  	s3 =	sld [smem:$0x3FDB];
	s0 =	simm.s32 @p2 $0x1  }
0x17: {  	s4 =	simm.s32 $0x1BF5;
	[smem:$0x3FBB] =	sst s0  }
0x18: {  	s0 =	sld [smem:$0x3F9E];
	_ =	swait.ge [sflag:s4], $0x0  }
0x19: {  	s7 =	sld [smem:$0x3F9F]  }
0x1a: {  	s8 =	sadd.s32 $0xFFFFE003, lr  }
0x1b: {  	s9 =	sadd.s32 $0xFFFFFEF7, lr;
	s5 =	simm.s32 $0xFFFFFFFF;
	p2 =	slt.u32 s8, $0xFFFFF086  }
0x1c: {  	p1 =	slt.u32 s9, $0xF7A;
	s5 =	simm.s32 @!p2 $0x0  }
0x1d: {  	s5 =	simm.s32 @p1 $0x1;
	p0 =	seq.s32 s7, s2  }
0x1e: {  	s7 =	smul.u32 @!p0 $0xF7A, s2;
	p2 =	seq.s32 @!p0 s5, $0x0  }
0x1f: {  	s9 =	smul.u32 $0xF7A, s1;
	s8 =	simm.s32 @!p0 $0x1BF5;
	p2 =	por !p2, p0  }
0x20: {  	[sflag:s8] =	ssyncset.s32 @!p0 $0xFFFFF086;
	s6 =	sadd.s32 @!p0 s3, s7;
	s7 =	simm.s32 @!p0 $0x108  }
0x21: {  	s3 =	sadd.s32 s3, s9;
	s6 =	sadd.s32 @!p0 $0x88, s6;
	s7 =	simm.s32 @p2 $0x1082  }
0x22: {  	[simem:s7], [sflag:s8] =	dma.local @!p0 [hbm:s6], $0xF7A  }
0x23: {  	s9 =	sor.u32 $0xD0000000, s2;
	s6 =	simm.s32 $0x108;
	_ =	swait.ge @!p0 [sflag:s8], $0x0  }
0x24: {  	s3 =	sadd.s32 $0x88, s3;
	s6 =	simm.s32 @!p1 $0x1082;
	[sflag:s4] =	ssyncset.s32 $0xFFFFF086  }
0x25: {  	[simem:s6], [sflag:s4] =	dma.local [hbm:s3], $0xF7A  }
0x26: {  	[smem:$0x3F9F] =	sst s1;
	(tag) =	ssettag s2;
	_ =	strace s9  }
0x27: {  	s1 =	sld [smem:$0x3FAF]  }
0x28: {  	s2 =	sld [smem:$0x3FB0]  }
0x29: {  	s4 =	sld [smem:$0x3FB2]  }
0x2a: {  	p0 =	seq.s32 s5, $0x0;
	s5 =	sld [smem:$0x3FB3]  }
0x2b: {  	s6 =	sld [smem:$0x3FB4]  }
0x2c: {  	s7 =	sld [smem:$0x3FB5]  }
0x2d: {  	s3 =	simm.s32 $0x108;
	s8 =	sld [smem:$0x3FB6]  }
0x2e: {  	s3 =	simm.s32 @!p0 $0x1082;
	s9 =	sld [smem:$0x3FB7]  }
0x2f: {  	lr =	sadd.s32 s0, s3;
	s0 =	sld [smem:$0x3FAE]  }
0x30: {  	s3 =	sld [smem:$0x3FB1]  }
0x31: {  	[smem:$0x3FBA] =	sst s10  }
0x32: {  	s10 =	sld [smem:$0x3FB8];
	_ =	sdelay $0x3  }
0x33: {  	p0 =	seq.s32 s10, $0x1;
	s10 =	sld [smem:$0x3FBA];
	_ =	sdelay $0x3  }
0x34: {  	[smem:$0x3FBA] =	sst s10  }
0x35: {  	s10 =	sld [smem:$0x3FB9];
	_ =	sdelay $0x3  }
0x36: {  	p1 =	seq.s32 s10, $0x1;
	s10 =	sld [smem:$0x3FBA];
	_ =	sdelay $0x3  }
0x37: {  	[smem:$0x3FBA] =	sst s10  }
0x38: {  	s10 =	sld [smem:$0x3FBB]  }
0x39: {  	_ = 	snop;
	(pc) =	sbr.ind lr, $3  }
0x3a: {  	_ = 	snop  }
0x3b: {  	_ = 	snop  }
0x3c: {  	p2 =	seq.s32 s10, $0x1;
	s10 =	sld [smem:$0x3FBA]  }
0x3d: {  	_ =	shalt  }
0x3e: {  	_ =	shalt  }
0x3f: {  	_ =	shalt  }
0x40: {  	_ =	shalt  }
0x41: {  	_ =	shalt  }
0x42: {  	_ =	shalt  }
0x43: {  	_ =	shalt  }
0x44: {  	_ =	shalt  }
0x45: {  	_ =	shalt  }
0x46: {  	_ =	shalt  }
0x47: {  	_ =	shalt  }
0x48: {  	_ =	shalt  }
0x49: {  	_ =	shalt  }
0x4a: {  	_ =	shalt  }
0x4b: {  	_ =	shalt  }
0x4c: {  	_ =	shalt  }
0x4d: {  	_ =	shalt  }
0x4e: {  	_ =	shalt  }
0x4f: {  	_ =	shalt  }
0x50: {  	_ =	shalt  }
0x51: {  	_ =	shalt  }
0x52: {  	_ =	shalt  }
0x53: {  	_ =	shalt  }
0x54: {  	_ =	shalt  }
0x55: {  	_ =	shalt  }
0x56: {  	_ =	shalt  }
0x57: {  	_ =	shalt  }
0x58: {  	_ =	shalt  }
0x59: {  	_ =	shalt  }
0x5a: {  	_ =	shalt  }
0x5b: {  	_ =	shalt  }
0x5c: {  	_ =	shalt  }
0x5d: {  	_ =	shalt  }
0x5e: {  	_ =	shalt  }
0x5f: {  	_ =	shalt  }
0x60: {  	_ =	shalt  }
0x61: {  	_ =	shalt  }
0x62: {  	_ =	shalt  }
0x63: {  	_ =	shalt  }
0x64: {  	_ =	shalt  }
0x65: {  	_ =	shalt  }
0x66: {  	_ =	shalt  }
0x67: {  	_ =	shalt  }
0x68: {  	_ =	shalt  }
0x69: {  	_ =	shalt  }
0x6a: {  	_ =	shalt  }
0x6b: {  	_ =	shalt  }
0x6c: {  	_ =	shalt  }
0x6d: {  	_ =	shalt  }
0x6e: {  	_ =	shalt  }
0x6f: {  	_ =	shalt  }
0x70: {  	_ =	shalt  }
0x71: {  	_ =	shalt  }
0x72: {  	_ =	shalt  }
0x73: {  	_ =	shalt  }
0x74: {  	_ =	shalt  }
0x75: {  	_ =	shalt  }
0x76: {  	_ =	shalt  }
0x77: {  	_ =	shalt  }
0x78: {  	_ =	shalt  }
0x79: {  	_ =	shalt  }
0x7a: {  	_ =	shalt  }
0x7b: {  	_ =	shalt  }
0x7c: {  	_ =	shalt  }
0x7d: {  	_ =	shalt  }
0x7e: {  	_ =	shalt  }
0x7f: {  	_ =	shalt  }
0x80: {  	_ =	shalt  }
0x81: {  	_ =	shalt  }
0x82: {  	_ =	shalt  }
0x83: {  	_ =	shalt  }
0x84: {  	_ =	shalt  }
0x85: {  	_ =	shalt  }
0x86: {  	_ =	shalt  }
0x87: {  	_ =	shalt  }
.Lfunc_end0:
.L_simem_size_0:
called_computation.1_lowered:
.L_overlay_start_0:
0x88: {  	s2 =	sld [smem:$0x3FD9]  }
0x89: {  	s3 =	sld [smem:$0x3FFE];
	_ =	sdelay $0x1  }
0x8a: {  	s1 =	srdreg.scid  }
0x8b: {  	s0 =	sand.u32 $0x1, s1  }
0x8c: {  	s17 =	sshll.u32 s0, $0xA;
	s2 =	sadd.s32 s3, s2  }
0x8d: {  	s2 =	sadd.s32 s2, s17  }
0x8e: {  	[smem:$0x3FC6] =	sst s2  }
0x8f: {  	_ = 	snop  }
0x90: {  	s2 =	sld [smem:$0x3FD0];
	(tm) =	ssettm $0x1  }
0x91: {  	s18 =	sld [smem:$0x3FFB];
	_ =	sdelay $0x3  }
0x92: {  	_ =	strace s18  }
0x93: {  	s3 =	sld [smem:$0x3FFC];
	_ =	sdelay $0x3  }
0x94: {  	_ =	strace s3  }
0x95: {  	s3 =	sld [smem:$0x3FFD];
	_ =	sdelay $0x3  }
0x96: {  	_ =	strace s3  }
0x97: {  	_ =	strace $0x8FFFFFFF  }
0x98: {  	s19 =	sld [smem:$0x3FDB];
	_ =	sdelay $0x1  }
0x99: {  	s4 =	simm.s32 $_scs_section_size  }
0x9a: {  	s5 =	simm.s32 $_size__tile_overlayer_lowered;
	s6 =	simm.s32 $_tile_overlayer_lowered  }
0x9b: {  	s22 =	simm.s32 $0x1BFF;
	s21 =	sshll.u32 s6, $0x1;
	s3 =	sadd.s32 s4, s19  }
0x9c: {  	s7 =	simm.s32 $0x0;
	s20 =	sshll.u32 s5, $0x1;
	s5 =	sadd.s32 s21, s3  }
0x9d: {  	[timem:s7], [sflag:s22] =	dma.local [hbm:s5], s20  }
0x9e: {  	_ =	swait.ge [sflag:s22], s20  }
0x9f: {  	s4 =	ssub.s32 $0x0, s20;
	[sflag:s22] =	ssyncset.done $0x0  }
0xa0: {  	[sflag:s22] =	ssyncadd.s32 s4;
	_ =	sdelay $0x1  }
0xa1: {  	s23 =	simm.s32 $0x1B8B  }
0xa2: {  	_ =	swait.ge [sflag:s23], $0x1  }
0xa3: {  	[sflag:s23] =	ssyncset.done $0x0  }
0xa4: {  	s25 =	simm.s32 $0x1B8E;
	s24 =	sld [smem:$0x3FFE];
	[sflag:s23] =	ssyncadd.s32 $0xFFFFFFFF  }
0xa5: {  	s26 =	simm.s32 $execute0_lowered;
	[smem:$0x3FD2] =	sst s25  }
0xa6: {  	s5 =	sshll.u32 s26, $0x1;
	_ =	strace $0x80000046;
	[dreg:$0x1] =	wrdreg $0xFFFFFFFF  }
0xa7: {  	s28 =	simm.s32 $_size_execute0_lowered;
	s3 =	sadd.s32 s3, s5;
	[dreg:$0x0] =	wrdreg $0x0  }
0xa8: {  	s5 =	sshll.u32 s28, $0x1;
	[dreg:$0x2] =	wrdreg s3  }
0xa9: {  	[dreg:$0x3] =	wrdreg s5  }
0xaa: {  	[dreg:$0x4] =	wrdreg $0xC0  }
0xab: {  	_ =	task [dreg:s7], $0x5FFFF  }
0xac: {  	[dreg:$0x1] =	wrdreg $0xFFFFFFFF  }
0xad: {  	[dreg:$0x0] =	wrdreg $0x60  }
0xae: {  	[dreg:$0x2] =	wrdreg s2  }
0xaf: {  	[dreg:$0x3] =	wrdreg s24  }
0xb0: {  	[dreg:$0x4] =	wrdreg $0x9  }
0xb1: {  	_ =	task.clear_ibuf [dreg:s7], $0x5FFFF;
	_ =	strace $0x90000046  }
0xb2: {  	s29 =	simm.s32 $0x9;
	_ =	strace $0x80000048  }
0xb3: {  	_ =	swait.ge [sflag:s29], $0x1  }
0xb4: {  	[sflag:s29] =	ssyncadd.s32 $0xFFFFFFFF  }
0xb5: {  	_ =	strace $0x90000048  }
0xb6: {  	_ =	sfence  }
0xb7: {  	s30 =	sld [smem:$0x0];
	_ =	sdelay $0x2  }
0xb8: {  	s31 =	sshll.u32 s1, $0xD;
	s1 =	sshrl.u32 s1, $0x2  }
0xb9: {  	s3 =	sand.u32 $0x4000, s31;
	s1 =	sadd.s32 s1, s30  }
0xba: {  	s0 =	sor.u32 s3, s0;
	s1 =	sshll.u32 s1, $0x11  }
0xbb: {  	s0 =	sor.u32 s1, s0  }
0xbc: {  	s0 =	sadd.s32 $0x8F2B, s0  }
0xbd: {  	[sflag:s0] =	ssyncadd.remote.s32 $0x1  }
0xbe: {  	_ =	sfence.sel $0xFFFF  }
0xbf: {  	[dreg:$0x0] =	wrdreg $0xFFFFFFFF;
	(pc) =	sbr.abs _section_cstart, $3  }
0xc0: {  	[dreg:$0x1] =	wrdreg $0xFFFFFFFF  }
0xc1: {  	_ =	task.clear_ibuf [dreg:s7], $0x2FFFF;
	_ =	strace $0x9FFFFFFF  }
0xc2: {  	(tm) =	ssettm $0x7FFFFFFF  }
0xc3: {  	_ =	shalt  }
tec
execute0_lowered:
.L_overlay_start_1:
0x0: {  	(tag) =	ssettag $0x1  }
0x1: {  	s1 =	rddreg [dreg:$0x0]  }
0x2: {  	s0 =	rddreg [dreg:$0x1];
	s2 =	srdreg.scid;
	s3 =	simm.s32 $0x0  }
0x3: {  	s6 =	stileid.u32;
	s8 =	simm.s32 $0x1;
	s9 =	simm.s32 $0x80  }
0x4: {  	s10 =	simm.s32 $0x400;
	s11 =	simm.s32 $0xC000;
	s2 =	sand.u32 $0x1, s2  }
0x5: {  	s12 =	simm.s32 $0x24000;
	[smem:$0x7FF] =	sst s3;
	s4 =	ssub.s32 $0x2, s2  }
0x6: {  	s6 =	sshll.u32 s6, $0x1;
	s7 =	sadd.s32 $0xA00, s0;
	s5 =	sshrl.u32 s4, $0x1  }
0x7: {  	_ =	strace $0x80000047;
	s2 =	sor.u32 s2, s6;
	s4 =	ssub.s32 s4, s5  }
0x8: {  	[dreg:$0x3] =	wrdreg s7;
	s6 =	smul.u32 $0x3, s2;
	s31 =	smax.u32 s4, $0x1  }
0x9: {  	s2 =	simm.s32 $0x0;
	s5 =	sadd.s32 $0x2200, s0;
	[dreg:$0x4] =	wrdreg s31  }
.LBB2_1:
0xa: {  	[dreg:$0x5] =	wrdreg s2  }
0xb: {  	s0 =	rddreg [dreg:$0x3]  }
0xc: {  	[tilespmem:s3], [sflag:$0x1] =	stream.linear.gather [hbm4b:s0+s3], $0xC000, $0x38;
	[tilespmem:$0x18C00] =	vst v63  }
0xd: {  	_ =	swait.ge [sflag:s8], $0xC000  }
0xe: {  	[sflag:s8] =	ssyncset.done $0x0  }
0xf: {  	s14 =	simm.s32 $0x0;
	[sflag:s8] =	ssyncadd.s32 $0xFFFF4000  }
.LBB2_2:
0x10: {  	s0 =	sadd.s32 s6, s14  }
0x11: {  	s2 =	smulhi.u32 $0xAAAAAAAB, s0;
	s4 =	sshrl.u32 s0, $0x3  }
0x12: {  	s15 =	sshll.u32 s0, $0x7;
	s4 =	smul.u32 $0x6000, s4  }
0x13: {  	s15 =	sand.u32 $0x380, s15;
	s2 =	sshrl.u32 s2, $0x5  }
0x14: {  	s4 =	sor.u32 s15, s4;
	s30 =	smul.u32 $0x30, s2  }
0x15: {  	s4 =	sshrl.u32 s4, $0x3  }
0x16: {  	s0 =	ssub.s32 s0, s30;
	s4 =	sadd.s32 s1, s4  }
0x17: {  	[tilespmem:s11], [sflag:$0x1] =	stream.strided.gather [hbm4b:s4+s9], $0xC00, s10, s9, $0x38;
	[tilespmem:$0x18C00] =	vst v63  }
0x18: {  	s2 =	smul.u32 $0x1B00000, s2;
	s31 =	sshrl.u32 s0, $0x3  }
0x19: {  	s4 =	smul.u32 $0x6000, s31  }
0x1a: {  	s0 =	sshll.u32 s0, $0x7;
	_ =	swait.ge [sflag:s8], $0xC00  }
0x1b: {  	s0 =	sand.u32 $0x380, s0;
	[sflag:s8] =	ssyncset.done $0x0;
	s2 =	sor.u32 s4, s2  }
0x1c: {  	s16 =	simm.s32 $0x0;
	[sflag:s8] =	ssyncadd.s32 $0xFFFFF400;
	s15 =	sor.u32 s0, s2  }
.LBB2_3:
0x1d: {  	s0 =	sshll.u32 s16, $0x4;
	s17 =	simm.s32 $0xFFFFFFFC;
	p0 =	por $0x0, $0x0  }
0x1e: {  	s18 =	simm.s32 $0xC000;
	s19 =	simm.s32 $0x0;
	s20 =	simm.s32 $0x0;
	v0 =	vmov s0  }
.LBB2_4:
0x1f: {  	v1 =	vld [tilespmem:s18+$0x0];
	_ =	sdelay $0x4  }
0x20: {  	v1 =	vadd.s32 v0, v1;
	_ =	sdelay $0x4  }
0x21: {  	v2 =	vld.idx.msk [tilespmem:v1+s3+$0x0], $0xffff  }
0x22: {  	v3 =	vadd.s32 $0x1, v1  }
0x23: {  	s0 =	sand.u32 $0x7C00, s20  }
0x24: {  	s25 =	sand.u32 $0x40, s19;
	s21 =	sadd.s32 $0xCC00, s0  }
0x25: {  	s2 =	sor.u32 s25, s21  }
0x26: {  	[tilespmem:s2+$0x0] =	vst v2  }
0x27: {  	v2 =	vld.idx.msk [tilespmem:v3+s3+$0x0], $0xffff  }
0x28: {  	v3 =	vadd.s32 $0x2, v1;
	_ =	sdelay $0x3  }
0x29: {  	[tilespmem:s2+$0x80] =	vst v2  }
0x2a: {  	v2 =	vld.idx.msk [tilespmem:v3+s3+$0x0], $0xffff  }
0x2b: {  	v3 =	vadd.s32 $0x3, v1;
	_ =	sdelay $0x3  }
0x2c: {  	[tilespmem:s2+$0x100] =	vst v2  }
0x2d: {  	v2 =	vld.idx.msk [tilespmem:v3+s3+$0x0], $0xffff  }
0x2e: {  	v3 =	vadd.s32 $0x4, v1;
	_ =	sdelay $0x3  }
0x2f: {  	[tilespmem:s2+$0x180] =	vst v2  }
0x30: {  	s2 =	simm.s32 $0x1;
	v2 =	vld.idx.msk [tilespmem:v3+s3+$0x0], $0xffff  }
0x31: {  	s2 =	simm.s32 @!p0 $0x0;
	v3 =	vadd.s32 $0x5, v1  }
0x32: {  	s2 =	sshll.u32 s2, $0x6  }
0x33: {  	s22 =	sadd.s32 s2, s20  }
0x34: {  	s2 =	sor.u32 $0x200, s22  }
0x35: {  	[tilespmem:s2+$0xCC00] =	vst v2  }
0x36: {  	v2 =	vld.idx.msk [tilespmem:v3+s3+$0x0], $0xffff  }
0x37: {  	v3 =	vadd.s32 $0x6, v1;
	_ =	sdelay $0x2  }
0x38: {  	s13 =	sor.u32 $0x280, s22  }
0x39: {  	[tilespmem:s13+$0xCC00] =	vst v2  }
0x3a: {  	v2 =	vld.idx.msk [tilespmem:v3+s3+$0x0], $0xffff  }
0x3b: {  	v3 =	vadd.s32 $0x7, v1;
	_ =	sdelay $0x2  }
0x3c: {  	s23 =	sor.u32 $0x300, s22  }
0x3d: {  	[tilespmem:s23+$0xCC00] =	vst v2  }
0x3e: {  	v2 =	vld.idx.msk [tilespmem:v3+s3+$0x0], $0xffff  }
0x3f: {  	v3 =	vadd.s32 $0x8, v1;
	_ =	sdelay $0x2  }
0x40: {  	s24 =	sor.u32 $0x380, s22  }
0x41: {  	[tilespmem:s24+$0xCC00] =	vst v2  }
0x42: {  	v2 =	vld.idx.msk [tilespmem:v3+s3+$0x0], $0xffff  }
0x43: {  	v3 =	vadd.s32 $0x9, v1;
	_ =	sdelay $0x1  }
0x44: {  	s23 =	sadd.s32 $0x12C00, s0  }
0x45: {  	s26 =	sor.u32 s25, s23  }
0x46: {  	[tilespmem:s26+$0x0] =	vst v2  }
0x47: {  	v2 =	vld.idx.msk [tilespmem:v3+s3+$0x0], $0xffff  }
0x48: {  	v3 =	vadd.s32 $0xA, v1;
	_ =	sdelay $0x1  }
0x49: {  	s24 =	sadd.s32 $0x12C80, s0  }
0x4a: {  	s28 =	sor.u32 s25, s24  }
0x4b: {  	[tilespmem:s28+$0x0] =	vst v2  }
0x4c: {  	v2 =	vld.idx.msk [tilespmem:v3+s3+$0x0], $0xffff  }
0x4d: {  	v3 =	vadd.s32 $0xB, v1;
	_ =	sdelay $0x1  }
0x4e: {  	s26 =	sadd.s32 $0x12D00, s0  }
0x4f: {  	s29 =	sor.u32 s25, s26  }
0x50: {  	[tilespmem:s29+$0x0] =	vst v2  }
0x51: {  	v2 =	vld.idx.msk [tilespmem:v3+s3+$0x0], $0xffff  }
0x52: {  	v3 =	vadd.s32 $0xC, v1;
	_ =	sdelay $0x1  }
0x53: {  	s28 =	sadd.s32 $0x12D80, s0  }
0x54: {  	s30 =	sor.u32 s25, s28  }
0x55: {  	[tilespmem:s30+$0x0] =	vst v2  }
0x56: {  	v2 =	vld.idx.msk [tilespmem:v3+s3+$0x0], $0xffff  }
0x57: {  	v3 =	vadd.s32 $0xD, v1;
	_ =	sdelay $0x1  }
0x58: {  	s29 =	sadd.s32 $0x12E00, s0  }
0x59: {  	s31 =	sor.u32 s25, s29  }
0x5a: {  	[tilespmem:s31+$0x0] =	vst v2  }
0x5b: {  	v2 =	vld.idx.msk [tilespmem:v3+s3+$0x0], $0xffff  }
0x5c: {  	v3 =	vadd.s32 $0xE, v1;
	_ =	sdelay $0x1  }
0x5d: {  	s30 =	sadd.s32 $0x12E80, s0  }
0x5e: {  	s4 =	sor.u32 s25, s30  }
0x5f: {  	[tilespmem:s4+$0x0] =	vst v2  }
0x60: {  	v2 =	vld.idx.msk [tilespmem:v3+s3+$0x0], $0xffff  }
0x61: {  	v1 =	vadd.s32 $0xF, v1;
	_ =	sdelay $0x1  }
0x62: {  	s31 =	sadd.s32 $0x12F00, s0  }
0x63: {  	s7 =	sor.u32 s25, s31  }
0x64: {  	[tilespmem:s7+$0x0] =	vst v2  }
0x65: {  	v1 =	vld.idx.msk [tilespmem:v1+s3+$0x0], $0xffff;
	_ =	sdelay $0x2  }
0x66: {  	s13 =	sand.u32 $0xF80, s19;
	s0 =	sadd.s32 $0x12F80, s0  }
0x67: {  	s2 =	sor.u32 $0xC000, s13;
	s4 =	sor.u32 $0x10, s25;
	s7 =	sor.u32 s25, s0  }
0x68: {  	s13 =	sor.u32 s4, s2;
	[tilespmem:s7+$0x0] =	vst v1  }
0x69: {  	v1 =	vld [tilespmem:s13+$0x0];
	_ =	sdelay $0x4  }
0x6a: {  	v1 =	vadd.s32 v0, v1;
	_ =	sdelay $0x4  }
0x6b: {  	v2 =	vld.idx.msk [tilespmem:v1+s3+$0x0], $0xffff  }
0x6c: {  	v3 =	vadd.s32 $0x1, v1;
	_ =	sdelay $0x2  }
0x6d: {  	s13 =	sor.u32 s4, s21  }
0x6e: {  	[tilespmem:s13+$0x0] =	vst v2  }
0x6f: {  	v2 =	vld.idx.msk [tilespmem:v3+s3+$0x0], $0xffff  }
0x70: {  	v3 =	vadd.s32 $0x2, v1;
	_ =	sdelay $0x3  }
0x71: {  	[tilespmem:s13+$0x80] =	vst v2  }
0x72: {  	v2 =	vld.idx.msk [tilespmem:v3+s3+$0x0], $0xffff  }
0x73: {  	v3 =	vadd.s32 $0x3, v1;
	_ =	sdelay $0x3  }
0x74: {  	[tilespmem:s13+$0x100] =	vst v2  }
0x75: {  	v2 =	vld.idx.msk [tilespmem:v3+s3+$0x0], $0xffff  }
0x76: {  	v3 =	vadd.s32 $0x4, v1;
	_ =	sdelay $0x3  }
0x77: {  	[tilespmem:s13+$0x180] =	vst v2  }
0x78: {  	v2 =	vld.idx.msk [tilespmem:v3+s3+$0x0], $0xffff  }
0x79: {  	v3 =	vadd.s32 $0x5, v1;
	_ =	sdelay $0x1  }
0x7a: {  	s7 =	sadd.s32 $0x10, s22  }
0x7b: {  	s13 =	sor.u32 $0x200, s7  }
0x7c: {  	[tilespmem:s13+$0xCC00] =	vst v2  }
0x7d: {  	v2 =	vld.idx.msk [tilespmem:v3+s3+$0x0], $0xffff  }
0x7e: {  	v3 =	vadd.s32 $0x6, v1;
	_ =	sdelay $0x2  }
0x7f: {  	s13 =	sor.u32 $0x280, s7  }
0x80: {  	[tilespmem:s13+$0xCC00] =	vst v2  }
0x81: {  	v2 =	vld.idx.msk [tilespmem:v3+s3+$0x0], $0xffff  }
0x82: {  	v3 =	vadd.s32 $0x7, v1;
	_ =	sdelay $0x2  }
0x83: {  	s13 =	sor.u32 $0x300, s7  }
0x84: {  	[tilespmem:s13+$0xCC00] =	vst v2  }
0x85: {  	v2 =	vld.idx.msk [tilespmem:v3+s3+$0x0], $0xffff  }
0x86: {  	v3 =	vadd.s32 $0x8, v1;
	_ =	sdelay $0x2  }
0x87: {  	s7 =	sor.u32 $0x380, s7  }
0x88: {  	[tilespmem:s7+$0xCC00] =	vst v2  }
0x89: {  	v2 =	vld.idx.msk [tilespmem:v3+s3+$0x0], $0xffff  }
0x8a: {  	v3 =	vadd.s32 $0x9, v1;
	_ =	sdelay $0x2  }
0x8b: {  	s13 =	sor.u32 s4, s23  }
0x8c: {  	[tilespmem:s13+$0x0] =	vst v2  }
0x8d: {  	v2 =	vld.idx.msk [tilespmem:v3+s3+$0x0], $0xffff  }
0x8e: {  	v3 =	vadd.s32 $0xA, v1;
	_ =	sdelay $0x2  }
0x8f: {  	s13 =	sor.u32 s4, s24  }
0x90: {  	[tilespmem:s13+$0x0] =	vst v2  }
0x91: {  	v2 =	vld.idx.msk [tilespmem:v3+s3+$0x0], $0xffff  }
0x92: {  	v3 =	vadd.s32 $0xB, v1;
	_ =	sdelay $0x2  }
0x93: {  	s13 =	sor.u32 s4, s26  }
0x94: {  	[tilespmem:s13+$0x0] =	vst v2  }
0x95: {  	v2 =	vld.idx.msk [tilespmem:v3+s3+$0x0], $0xffff  }
0x96: {  	v3 =	vadd.s32 $0xC, v1;
	_ =	sdelay $0x2  }
0x97: {  	s13 =	sor.u32 s4, s28  }
0x98: {  	[tilespmem:s13+$0x0] =	vst v2  }
0x99: {  	v2 =	vld.idx.msk [tilespmem:v3+s3+$0x0], $0xffff  }
0x9a: {  	v3 =	vadd.s32 $0xD, v1;
	_ =	sdelay $0x2  }
0x9b: {  	s13 =	sor.u32 s4, s29  }
0x9c: {  	[tilespmem:s13+$0x0] =	vst v2  }
0x9d: {  	v2 =	vld.idx.msk [tilespmem:v3+s3+$0x0], $0xffff  }
0x9e: {  	v3 =	vadd.s32 $0xE, v1;
	_ =	sdelay $0x2  }
0x9f: {  	s13 =	sor.u32 s4, s30  }
0xa0: {  	[tilespmem:s13+$0x0] =	vst v2  }
0xa1: {  	v2 =	vld.idx.msk [tilespmem:v3+s3+$0x0], $0xffff  }
0xa2: {  	v1 =	vadd.s32 $0xF, v1;
	_ =	sdelay $0x2  }
0xa3: {  	s13 =	sor.u32 s4, s31  }
0xa4: {  	[tilespmem:s13+$0x0] =	vst v2  }
0xa5: {  	v1 =	vld.idx.msk [tilespmem:v1+s3+$0x0], $0xffff;
	_ =	sdelay $0x3  }
0xa6: {  	s13 =	sor.u32 s4, s0;
	s4 =	sor.u32 $0x20, s25  }
0xa7: {  	[tilespmem:s13+$0x0] =	vst v1;
	s13 =	sor.u32 s4, s2  }
0xa8: {  	v1 =	vld [tilespmem:s13+$0x0];
	_ =	sdelay $0x4  }
0xa9: {  	v1 =	vadd.s32 v0, v1;
	_ =	sdelay $0x4  }
0xaa: {  	v2 =	vld.idx.msk [tilespmem:v1+s3+$0x0], $0xffff  }
0xab: {  	v3 =	vadd.s32 $0x1, v1;
	_ =	sdelay $0x2  }
0xac: {  	s13 =	sor.u32 s4, s21  }
0xad: {  	[tilespmem:s13+$0x0] =	vst v2  }
0xae: {  	v2 =	vld.idx.msk [tilespmem:v3+s3+$0x0], $0xffff  }
0xaf: {  	v3 =	vadd.s32 $0x2, v1;
	_ =	sdelay $0x3  }
0xb0: {  	[tilespmem:s13+$0x80] =	vst v2  }
0xb1: {  	v2 =	vld.idx.msk [tilespmem:v3+s3+$0x0], $0xffff  }
0xb2: {  	v3 =	vadd.s32 $0x3, v1;
	_ =	sdelay $0x3  }
0xb3: {  	[tilespmem:s13+$0x100] =	vst v2  }
0xb4: {  	v2 =	vld.idx.msk [tilespmem:v3+s3+$0x0], $0xffff  }
0xb5: {  	v3 =	vadd.s32 $0x4, v1;
	_ =	sdelay $0x3  }
0xb6: {  	[tilespmem:s13+$0x180] =	vst v2  }
0xb7: {  	v2 =	vld.idx.msk [tilespmem:v3+s3+$0x0], $0xffff  }
0xb8: {  	v3 =	vadd.s32 $0x5, v1;
	_ =	sdelay $0x1  }
0xb9: {  	s7 =	sadd.s32 $0x20, s22  }
0xba: {  	s13 =	sor.u32 $0x200, s7  }
0xbb: {  	[tilespmem:s13+$0xCC00] =	vst v2  }
0xbc: {  	v2 =	vld.idx.msk [tilespmem:v3+s3+$0x0], $0xffff  }
0xbd: {  	v3 =	vadd.s32 $0x6, v1;
	_ =	sdelay $0x2  }
0xbe: {  	s13 =	sor.u32 $0x280, s7  }
0xbf: {  	[tilespmem:s13+$0xCC00] =	vst v2  }
0xc0: {  	v2 =	vld.idx.msk [tilespmem:v3+s3+$0x0], $0xffff  }
0xc1: {  	v3 =	vadd.s32 $0x7, v1;
	_ =	sdelay $0x2  }
0xc2: {  	s13 =	sor.u32 $0x300, s7  }
0xc3: {  	[tilespmem:s13+$0xCC00] =	vst v2  }
0xc4: {  	v2 =	vld.idx.msk [tilespmem:v3+s3+$0x0], $0xffff  }
0xc5: {  	v3 =	vadd.s32 $0x8, v1;
	_ =	sdelay $0x2  }
0xc6: {  	s7 =	sor.u32 $0x380, s7  }
0xc7: {  	[tilespmem:s7+$0xCC00] =	vst v2  }
0xc8: {  	v2 =	vld.idx.msk [tilespmem:v3+s3+$0x0], $0xffff  }
0xc9: {  	v3 =	vadd.s32 $0x9, v1;
	_ =	sdelay $0x2  }
0xca: {  	s13 =	sor.u32 s4, s23  }
0xcb: {  	[tilespmem:s13+$0x0] =	vst v2  }
0xcc: {  	v2 =	vld.idx.msk [tilespmem:v3+s3+$0x0], $0xffff  }
0xcd: {  	v3 =	vadd.s32 $0xA, v1;
	_ =	sdelay $0x2  }
0xce: {  	s13 =	sor.u32 s4, s24  }
0xcf: {  	[tilespmem:s13+$0x0] =	vst v2  }
0xd0: {  	v2 =	vld.idx.msk [tilespmem:v3+s3+$0x0], $0xffff  }
0xd1: {  	v3 =	vadd.s32 $0xB, v1;
	_ =	sdelay $0x2  }
0xd2: {  	s13 =	sor.u32 s4, s26  }
0xd3: {  	[tilespmem:s13+$0x0] =	vst v2  }
0xd4: {  	v2 =	vld.idx.msk [tilespmem:v3+s3+$0x0], $0xffff  }
0xd5: {  	v3 =	vadd.s32 $0xC, v1;
	_ =	sdelay $0x2  }
0xd6: {  	s13 =	sor.u32 s4, s28  }
0xd7: {  	[tilespmem:s13+$0x0] =	vst v2  }
0xd8: {  	v2 =	vld.idx.msk [tilespmem:v3+s3+$0x0], $0xffff  }
0xd9: {  	v3 =	vadd.s32 $0xD, v1;
	_ =	sdelay $0x2  }
0xda: {  	s13 =	sor.u32 s4, s29  }
0xdb: {  	[tilespmem:s13+$0x0] =	vst v2  }
0xdc: {  	v2 =	vld.idx.msk [tilespmem:v3+s3+$0x0], $0xffff  }
0xdd: {  	v3 =	vadd.s32 $0xE, v1;
	_ =	sdelay $0x2  }
0xde: {  	s13 =	sor.u32 s4, s30  }
0xdf: {  	[tilespmem:s13+$0x0] =	vst v2  }
0xe0: {  	v2 =	vld.idx.msk [tilespmem:v3+s3+$0x0], $0xffff  }
0xe1: {  	v1 =	vadd.s32 $0xF, v1;
	_ =	sdelay $0x2  }
0xe2: {  	s13 =	sor.u32 s4, s31  }
0xe3: {  	[tilespmem:s13+$0x0] =	vst v2  }
0xe4: {  	v1 =	vld.idx.msk [tilespmem:v1+s3+$0x0], $0xffff;
	_ =	sdelay $0x3  }
0xe5: {  	s13 =	sor.u32 s4, s0;
	s4 =	sor.u32 $0x30, s25  }
0xe6: {  	s2 =	sor.u32 s4, s2;
	[tilespmem:s13+$0x0] =	vst v1  }
0xe7: {  	v1 =	vld [tilespmem:s2+$0x0];
	_ =	sdelay $0x4  }
0xe8: {  	v1 =	vadd.s32 v0, v1;
	_ =	sdelay $0x4  }
0xe9: {  	v2 =	vld.idx.msk [tilespmem:v1+s3+$0x0], $0xffff  }
0xea: {  	v3 =	vadd.s32 $0x1, v1;
	_ =	sdelay $0x2  }
0xeb: {  	s21 =	sor.u32 s4, s21  }
0xec: {  	[tilespmem:s21+$0x0] =	vst v2  }
0xed: {  	v2 =	vld.idx.msk [tilespmem:v3+s3+$0x0], $0xffff  }
0xee: {  	v3 =	vadd.s32 $0x2, v1;
	_ =	sdelay $0x3  }
0xef: {  	[tilespmem:s21+$0x80] =	vst v2  }
0xf0: {  	v2 =	vld.idx.msk [tilespmem:v3+s3+$0x0], $0xffff  }
0xf1: {  	v3 =	vadd.s32 $0x3, v1;
	_ =	sdelay $0x3  }
0xf2: {  	[tilespmem:s21+$0x100] =	vst v2  }
0xf3: {  	v2 =	vld.idx.msk [tilespmem:v3+s3+$0x0], $0xffff  }
0xf4: {  	v3 =	vadd.s32 $0x4, v1;
	_ =	sdelay $0x3  }
0xf5: {  	[tilespmem:s21+$0x180] =	vst v2  }
0xf6: {  	v2 =	vld.idx.msk [tilespmem:v3+s3+$0x0], $0xffff  }
0xf7: {  	v3 =	vadd.s32 $0x5, v1;
	_ =	sdelay $0x1  }
0xf8: {  	s25 =	sadd.s32 $0x30, s22  }
0xf9: {  	s13 =	sor.u32 $0x200, s25  }
0xfa: {  	[tilespmem:s13+$0xCC00] =	vst v2  }
0xfb: {  	v2 =	vld.idx.msk [tilespmem:v3+s3+$0x0], $0xffff  }
0xfc: {  	v3 =	vadd.s32 $0x6, v1;
	_ =	sdelay $0x2  }
0xfd: {  	s21 =	sor.u32 $0x280, s25  }
0xfe: {  	[tilespmem:s21+$0xCC00] =	vst v2  }
0xff: {  	v2 =	vld.idx.msk [tilespmem:v3+s3+$0x0], $0xffff  }
0x100: {  	v3 =	vadd.s32 $0x7, v1;
	_ =	sdelay $0x2  }
0x101: {  	s22 =	sor.u32 $0x300, s25  }
0x102: {  	[tilespmem:s22+$0xCC00] =	vst v2  }
0x103: {  	v2 =	vld.idx.msk [tilespmem:v3+s3+$0x0], $0xffff  }
0x104: {  	v3 =	vadd.s32 $0x8, v1;
	_ =	sdelay $0x2  }
0x105: {  	s2 =	sor.u32 $0x380, s25  }
0x106: {  	[tilespmem:s2+$0xCC00] =	vst v2  }
0x107: {  	v2 =	vld.idx.msk [tilespmem:v3+s3+$0x0], $0xffff  }
0x108: {  	v3 =	vadd.s32 $0x9, v1;
	_ =	sdelay $0x2  }
0x109: {  	s23 =	sor.u32 s4, s23  }
0x10a: {  	[tilespmem:s23+$0x0] =	vst v2  }
0x10b: {  	v2 =	vld.idx.msk [tilespmem:v3+s3+$0x0], $0xffff  }
0x10c: {  	v3 =	vadd.s32 $0xA, v1;
	_ =	sdelay $0x2  }
0x10d: {  	s25 =	sor.u32 s4, s24  }
0x10e: {  	[tilespmem:s25+$0x0] =	vst v2  }
0x10f: {  	v2 =	vld.idx.msk [tilespmem:v3+s3+$0x0], $0xffff  }
0x110: {  	v3 =	vadd.s32 $0xB, v1;
	_ =	sdelay $0x2  }
0x111: {  	s26 =	sor.u32 s4, s26  }
0x112: {  	[tilespmem:s26+$0x0] =	vst v2  }
0x113: {  	v2 =	vld.idx.msk [tilespmem:v3+s3+$0x0], $0xffff  }
0x114: {  	v3 =	vadd.s32 $0xC, v1;
	_ =	sdelay $0x2  }
0x115: {  	s28 =	sor.u32 s4, s28  }
0x116: {  	[tilespmem:s28+$0x0] =	vst v2  }
0x117: {  	v2 =	vld.idx.msk [tilespmem:v3+s3+$0x0], $0xffff  }
0x118: {  	v3 =	vadd.s32 $0xD, v1;
	_ =	sdelay $0x2  }
0x119: {  	s29 =	sor.u32 s4, s29  }
0x11a: {  	[tilespmem:s29+$0x0] =	vst v2  }
0x11b: {  	v2 =	vld.idx.msk [tilespmem:v3+s3+$0x0], $0xffff  }
0x11c: {  	v3 =	vadd.s32 $0xE, v1;
	_ =	sdelay $0x2  }
0x11d: {  	s30 =	sor.u32 s4, s30  }
0x11e: {  	[tilespmem:s30+$0x0] =	vst v2  }
0x11f: {  	v2 =	vld.idx.msk [tilespmem:v3+s3+$0x0], $0xffff  }
0x120: {  	v1 =	vadd.s32 $0xF, v1;
	_ =	sdelay $0x2  }
0x121: {  	s31 =	sor.u32 s4, s31  }
0x122: {  	s17 =	sadd.s32 $0x4, s17;
	[tilespmem:s31+$0x0] =	vst v2  }
0x123: {  	p1 =	slt.u32 s17, $0xBC;
	v1 =	vld.idx.msk [tilespmem:v1+s3+$0x0], $0xffff  }
.Ltmp0:
0x124: {  	_ = 	snop;
	(pc) =	sbr.rel @p1 .LBB2_4-.Ltmp0, $3  }
0x125: {  	_ =	sdelay $0x1  }
0x126: {  	s18 =	sadd.s32 $0x40, s18;
	s0 =	sor.u32 s4, s0  }
0x127: {  	p0 =	por !p0, !p0;
	s20 =	sadd.s32 $0x200, s20;
	s19 =	sadd.s32 $0x40, s19;
	[tilespmem:s0+$0x0] =	vst v1  }
0x128: {  	s0 =	smul.u32 $0x240000, s16;
	_ =	sdelay $0x1  }
0x129: {  	s0 =	sadd.s32 s15, s0  }
0x12a: {  	s0 =	sshrl.u32 s0, $0x3  }
0x12b: {  	s2 =	simm.s32 $0xCC00;
	s0 =	sadd.s32 s5, s0  }
0x12c: {  	s4 =	simm.s32 $0x80;
	s17 =	simm.s32 $0xD000;
	s18 =	sadd.s32 $0x0, s0  }
.LBB2_6:
0x12d: {  	[hbm4b:s18+s9] =	stream.strided.scatter [tilespmem:s2], [sflag:$0x1], $0x400, s12, s9, $0x38;
	[tilespmem:$0x18C00] =	vst v63  }
0x12e: {  	s7 =	smov.u32 s4;
	s2 =	smov.u32 s17;
	p0 =	sne.s32 s4, $0xB80  }
.Ltmp1:
0x12f: {  	s4 =	sadd.s32 $0x80, s4;
	(pc) =	sbr.rel @p0 .LBB2_6-.Ltmp1, $2  }
0x130: {  	_ =	sdelay $0x2  }
0x131: {  	s17 =	sadd.s32 $0x400, s17;
	s18 =	sadd.s32 s7, s0  }
0x132: {  	[hbm4b:s18+s9] =	stream.strided.scatter [tilespmem:s2], [sflag:$0x1], $0x400, s12, s9, $0x38;
	[tilespmem:$0x18C00] =	vst v63  }
0x133: {  	s0 =	sadd.s32 $0x24000, s0;
	s2 =	simm.s32 $0x12C00  }
0x134: {  	s4 =	simm.s32 $0x80;
	s17 =	simm.s32 $0x13000;
	s18 =	sadd.s32 $0x0, s0  }
.LBB2_8:
0x135: {  	[hbm4b:s18+s9] =	stream.strided.scatter [tilespmem:s2], [sflag:$0x1], $0x400, s12, s9, $0x38;
	[tilespmem:$0x18C00] =	vst v63  }
0x136: {  	s7 =	smov.u32 s4;
	s2 =	smov.u32 s17;
	p0 =	sne.s32 s4, $0xB80  }
.Ltmp2:
0x137: {  	s4 =	sadd.s32 $0x80, s4;
	(pc) =	sbr.rel @p0 .LBB2_8-.Ltmp2, $2  }
0x138: {  	_ =	sdelay $0x2  }
0x139: {  	s17 =	sadd.s32 $0x400, s17;
	s18 =	sadd.s32 s7, s0  }
0x13a: {  	s16 =	sadd.s32 $0x1, s16  }
0x13b: {  	p0 =	sne.s32 s16, $0xC  }
.Ltmp3:
0x13c: {  	_ = 	snop;
	(pc) =	sbr.rel @p0 .LBB2_3-.Ltmp3, $4  }
0x13d: {  	[hbm4b:s18+s9] =	stream.strided.scatter [tilespmem:s2], [sflag:$0x1], $0x400, s12, s9, $0x38;
	[tilespmem:$0x18C00] =	vst v63  }
0x13e: {  	_ =	swait.ge [sflag:s8], $0xC000  }
0x13f: {  	[sflag:s8] =	ssyncset.done $0x0  }
0x140: {  	[sflag:s8] =	ssyncadd.s32 $0xFFFF4000  }
0x141: {  	s14 =	sadd.s32 $0x1, s14  }
0x142: {  	p0 =	sne.s32 s14, $0x3  }
.Ltmp4:
0x143: {  	_ = 	snop;
	(pc) =	sbr.rel @p0 .LBB2_2-.Ltmp4, $1  }
0x144: {  	_ =	sdelay $0x3  }
0x145: {  	s2 =	rddreg [dreg:$0x5]  }
0x146: {  	s0 =	rddreg [dreg:$0x4];
	s2 =	sadd.s32 $0x1, s2  }
0x147: {  	p0 =	sne.s32 s2, s0  }
.Ltmp5:
0x148: {  	_ = 	snop;
	(pc) =	sbr.rel @p0 .LBB2_1-.Ltmp5, $1  }
0x149: {  	_ =	sdelay $0x3  }
0x14a: {  	_ =	sfence.sel $0x180000  }
0x14b: {  	[bflag:$0x0] =	sbarrier.arrive $0xFFFF  }
0x14c: {  	_ =	strace $0x90000047  }
0x14d: {  	s0 =	stileid.u32;
	[bflag:$0x2] =	sbarrier.arrive $0xFFFF  }
0x14e: {  	p0 =	sne.s32 s0, $0x0;
	s0 =	rddreg [dreg:$0x2]  }
0x14f: {  	s0 =	sadd.s32 @!p0 $0x100000, s0  }
0x150: {  	[sflag:s0] =	ssyncadd.tile.s32 @!p0 $0x1;
	_ =	shalt  }
.Lfunc_end2:
_tile_overlayer_lowered:
.L_overlay_start_2:
0x151: {  	(tag) =	ssettag $0x2  }
0x152: {  	s0 =	rddreg [dreg:$0x0];
	s2 =	stileid.u32  }
0x153: {  	s1 =	rddreg [dreg:$0x1];
	p0 =	sne.s32 s2, $0x0  }
0x154: {  	s3 =	rddreg [dreg:$0x2];
	[bflag:$0x3] =	sbarrier.arrive $0xFFFF;
	s2 =	simm.s32 @!p0 $0x1C01  }
0x155: {  	[timem:s3], [sflag:s2] =	dma.local @!p0 [hbm:s0], s1  }
0x156: {  	s0 =	simm.s32 @!p0 $0x1  }
0x157: {  	_ =	swait.ge @!p0 [sflag:s0], s1  }
0x158: {  	s1 =	ssub.s32 @!p0 $0x0, s1;
	[sflag:s0] =	ssyncset.done @!p0 $0x0  }
0x159: {  	[sflag:s0] =	ssyncadd.s32 @!p0 s1  }
0x15a: {  	[bflag:$0x3] =	sbarrier.arrive $0xFFFF  }
0x15b: {  	_ =	shalt  }

// kernel: sparse-core-data-format-call.cloned.1.call-start
scs
called_computation_lowered:
.L_overlay_start_0:
0x0: {  	s2 =	sld [smem:$0x3FD9]  }
0x1: {  	s3 =	sld [smem:$0x3FFE];
	_ =	sdelay $0x1  }
0x2: {  	s1 =	srdreg.scid  }
0x3: {  	s0 =	sand.u32 $0x1, s1  }
0x4: {  	s18 =	sshll.u32 s0, $0xA;
	s2 =	sadd.s32 s3, s2  }
0x5: {  	s2 =	sadd.s32 s2, s18  }
0x6: {  	[smem:$0x3FC6] =	sst s2  }
0x7: {  	_ = 	snop  }
0x8: {  	s2 =	sld [smem:$0x3FD0];
	(tm) =	ssettm $0x1  }
0x9: {  	s19 =	sld [smem:$0x3FFB];
	_ =	sdelay $0x3  }
0xa: {  	_ =	strace s19  }
0xb: {  	s3 =	sld [smem:$0x3FFC];
	_ =	sdelay $0x3  }
0xc: {  	_ =	strace s3  }
0xd: {  	s3 =	sld [smem:$0x3FFD];
	_ =	sdelay $0x3  }
0xe: {  	_ =	strace s3  }
0xf: {  	_ =	strace $0x8FFFFFFF  }
0x10: {  	s20 =	sld [smem:$0x3FDB];
	_ =	sdelay $0x1  }
0x11: {  	s4 =	simm.s32 $_scs_section_size  }
0x12: {  	s5 =	simm.s32 $_size__tile_overlayer_lowered;
	s6 =	simm.s32 $_tile_overlayer_lowered  }
0x13: {  	s23 =	simm.s32 $0x1BFF;
	s22 =	sshll.u32 s6, $0x1;
	s3 =	sadd.s32 s4, s20  }
0x14: {  	s7 =	simm.s32 $0x0;
	s21 =	sshll.u32 s5, $0x1;
	s5 =	sadd.s32 s22, s3  }
0x15: {  	[timem:s7], [sflag:s23] =	dma.local [hbm:s5], s21  }
0x16: {  	_ =	swait.ge [sflag:s23], s21  }
0x17: {  	s4 =	ssub.s32 $0x0, s21;
	[sflag:s23] =	ssyncset.done $0x0  }
0x18: {  	[sflag:s23] =	ssyncadd.s32 s4;
	_ =	sdelay $0x1  }
0x19: {  	s24 =	simm.s32 $0x1B8B  }
0x1a: {  	_ =	swait.ge [sflag:s24], $0x1  }
0x1b: {  	[sflag:s24] =	ssyncset.done $0x0  }
0x1c: {  	s26 =	simm.s32 $0x1B8E;
	s25 =	sld [smem:$0x3FFE];
	[sflag:s24] =	ssyncadd.s32 $0xFFFFFFFF  }
0x1d: {  	s27 =	simm.s32 $execute0_lowered;
	[smem:$0x3FD2] =	sst s26  }
0x1e: {  	s5 =	sshll.u32 s27, $0x1;
	_ =	strace $0x80000049;
	[dreg:$0x1] =	wrdreg $0xFFFFFFFF  }
0x1f: {  	s28 =	simm.s32 $_size_execute0_lowered;
	s3 =	sadd.s32 s3, s5;
	[dreg:$0x0] =	wrdreg $0x0  }
0x20: {  	s5 =	sshll.u32 s28, $0x1;
	[dreg:$0x2] =	wrdreg s3  }
0x21: {  	[dreg:$0x3] =	wrdreg s5  }
0x22: {  	[dreg:$0x4] =	wrdreg $0xC0  }
0x23: {  	_ =	task [dreg:s7], $0x5FFFF  }
0x24: {  	[dreg:$0x1] =	wrdreg $0xFFFFFFFF  }
0x25: {  	[dreg:$0x0] =	wrdreg $0x60  }
0x26: {  	[dreg:$0x2] =	wrdreg s25  }
0x27: {  	[dreg:$0x3] =	wrdreg s2  }
0x28: {  	[dreg:$0x4] =	wrdreg $0x9  }
0x29: {  	_ =	task.clear_ibuf [dreg:s7], $0x5FFFF;
	_ =	strace $0x90000049  }
0x2a: {  	s29 =	simm.s32 $0x9;
	_ =	strace $0x8000004B  }
0x2b: {  	_ =	swait.ge [sflag:s29], $0x1  }
0x2c: {  	[sflag:s29] =	ssyncadd.s32 $0xFFFFFFFF  }
0x2d: {  	_ =	strace $0x9000004B  }
0x2e: {  	_ =	sfence  }
0x2f: {  	s30 =	sld [smem:$0x0];
	_ =	sdelay $0x2  }
0x30: {  	s31 =	sshll.u32 s1, $0xD;
	s1 =	sshrl.u32 s1, $0x2  }
0x31: {  	s3 =	sand.u32 $0x4000, s31;
	s1 =	sadd.s32 s1, s30  }
0x32: {  	s0 =	sor.u32 s3, s0;
	s1 =	sshll.u32 s1, $0x11  }
0x33: {  	s0 =	sor.u32 s1, s0  }
0x34: {  	s0 =	sadd.s32 $0x8F2B, s0  }
0x35: {  	[sflag:s0] =	ssyncadd.remote.s32 $0x1  }
0x36: {  	_ =	sfence.sel $0xFFFF  }
0x37: {  	[dreg:$0x0] =	wrdreg $0xFFFFFFFF;
	(pc) =	sbr.abs _section_cstart, $3  }
0x38: {  	[dreg:$0x1] =	wrdreg $0xFFFFFFFF  }
0x39: {  	_ =	task.clear_ibuf [dreg:s7], $0x2FFFF;
	_ =	strace $0x9FFFFFFF  }
0x3a: {  	(tm) =	ssettm $0x7FFFFFFF  }
0x3b: {  	_ =	shalt  }
tec
execute0_lowered:
.L_overlay_start_1:
0x0: {  	(tag) =	ssettag $0x1  }
0x1: {  	s0 =	srdreg.scid  }
0x2: {  	s1 =	sshll.u32 s0, $0x4  }
0x3: {  	s0 =	stileid.u32;
	s1 =	sand.u32 $0x10, s1  }
0x4: {  	s6 =	rddreg [dreg:$0x0];
	s1 =	sor.u32 s0, s1  }
0x5: {  	s4 =	simm.s32 $0x1;
	s7 =	simm.s32 $0x2;
	s2 =	sshll.u32 s1, $0x1  }
0x6: {  	s14 =	simm.s32 $0x0;
	s8 =	simm.s32 $0x400;
	s1 =	ssub.s32 $0x900, s2  }
0x7: {  	s9 =	simm.s32 $0xC00;
	s10 =	simm.s32 $0x0;
	s3 =	sand.u32 $0x3E, s1  }
0x8: {  	s15 =	simm.s32 $0x0;
	s5 =	sshrl.u32 s1, $0x6;
	p0 =	sne.s32 s3, $0x0  }
.Ltmp0:
0x9: {  	s1 =	rddreg [dreg:$0x2];
	s4 =	simm.s32 @!p0 $0x0;
	(pc) =	sbr.rel .LBB1_1-.Ltmp0, $4  }
0xa: {  	s11 =	simm.s32 $0x0;
	s3 =	rddreg [dreg:$0x1];
	s5 =	sadd.s32 s4, s5  }
0xb: {  	_ =	strace $0x8000004A;
	s4 =	simm.s32 $0x1;
	s5 =	smul.u32 $0x3, s5  }
0xc: {  	s13 =	simm.s32 $0x0;
	s6 =	sadd.s32 $0x2200, s6;
	[sflag:s4] =	ssyncpa.u1 $0x0  }
0xd: {  	s12 =	smov.u32 s2;
	[sflag:s7] =	ssyncpa.u1 $0x0;
	s7 =	sadd.s32 $0x1, s5  }
.LBB1_9:
0xe: {  	s16 =	sadd.s32 $0x8, s11  }
0xf: {  	s14 =	sadd.s32 $0x40, s12;
	s18 =	smov.u32 s12;
	p1 =	sgt.s32 s16, $0x17  }
0x10: {  	s18 =	smov.u32 @p1 s14  }
0x11: {  	s16 =	simm.s32 @p1 $0x0;
	p1 =	sgt.s32 s18, $0x8FF  }
0x12: {  	s18 =	smov.u32 @p1 s2;
	p1 =	sne.s32 s13, s7  }
.Ltmp1:
0x13: {  	p0 =	slt.u32 s13, $0x2;
	(pc) =	sbr.rel @!p1 .LBB1_10-.Ltmp1, $4  }
0x14: {  	s17 =	simm.s32 @!p0 $0x2  }
0x15: {  	s15 =	smov.u32 s12;
	s10 =	sadd.s32 $0x4000, s10;
	_ =	swait.ge @!p0 [sflag:s17], $0x4000  }
0x16: {  	s14 =	smov.u32 s11;
	[sflag:s17] =	ssyncset.done @!p0 $0x0;
	s11 =	smov.u32 s16  }
0x17: {  	s13 =	sadd.s32 $0x1, s13;
	[sflag:s17] =	ssyncadd.s32 @!p0 $0xFFFFC000;
	s12 =	smov.u32 s18  }
.LBB1_1:
0x18: {  	p0 =	sge.u32 s13, s5  }
0x19: {  	s17 =	smul.u32 @!p0 $0xC00, s12  }
0x1a: {  	s31 =	sadd.s32 $0xFFFFFFFF, s13;
	s16 =	sxor.u32 @!p0 $0xFFFFFFFF, s13;
	s18 =	sshll.u32 @!p0 s11, $0x7  }
0x1b: {  	s19 =	simm.s32 @!p0 $0x6000;
	s16 =	sshll.u32 @!p0 s16, $0xE;
	s17 =	sadd.s32 @!p0 s6, s17  }
0x1c: {  	s16 =	sand.u32 @!p0 $0x4000, s16;
	s17 =	sadd.s32 @!p0 s18, s17;
	s18 =	simm.s32 @!p0 $0x2000  }
0x1d: {  	[tilespmem:s16], [sflag:$0x1] =	stream.strided.gather @!p0 [hbm4b:s17+s18], $0x4000, s19, s18, $0x38;
	[tilespmem:$0x10000] =	vst v63  }
0x1e: {  	p0 =	sge.u32 s31, s5  }
.Ltmp2:
0x1f: {  	_ = 	snop;
	(pc) =	sbr.rel @p0 .LBB1_9-.Ltmp2, $1  }
0x20: {  	_ =	sdelay $0x3  }
0x21: {  	s16 =	sshll.u32 s10, $0x2  }
0x22: {  	_ =	swait.ge [sflag:s4], $0x4000;
	s17 =	sshll.u32 s13, $0xE;
	s19 =	simm.s32 $0x0  }
0x23: {  	p1 =	por $0x1, $0x1;
	s16 =	sand.u32 $0x10000, s16;
	[sflag:s4] =	ssyncset.done $0x0  }
0x24: {  	s17 =	sand.u32 $0x4000, s17;
	s18 =	sshrl.u32 s16, $0x2;
	[sflag:s4] =	ssyncadd.s32 $0xFFFFC000  }
0x25: {  	s16 =	sor.u32 $0x8000, s17;
	s17 =	sadd.s32 $0x8040, s18;
	s18 =	sadd.s32 $0x40, s18  }
.LBB1_3:
0x26: {  	s19 =	sshll.u32 s19, $0x2  }
0x27: {  	p0 =	por p1, p1;
	s20 =	sshra.s32 s19, $0x2  }
0x28: {  	s21 =	simm.s32 $0x0;
	s19 =	sadd.s32 s20, s17;
	s20 =	sadd.s32 s20, s18  }
.LBB1_4:
0x29: {  	v0 =	vmov s20;
	_ =	sdelay $0x3  }
0x2a: {  	s23 =	simm.s32 $0x0  }
0x2b: {  	v6 =	vld.idx.msk [tilespmem:v0+s23+$0x30 ss:$0x1], $0xffff  }
0x2c: {  	v7 =	vld.idx.msk [tilespmem:v0+s23+$0xFFFFFFC0 ss:$0x1], $0xffff  }
0x2d: {  	v5 =	vld.idx.msk [tilespmem:v0+s23+$0xFFFFFFD0 ss:$0x1], $0xffff  }
0x2e: {  	v4 =	vld.idx.msk [tilespmem:v0+s23+$0xFFFFFFE0 ss:$0x1], $0xffff  }
0x2f: {  	v3 =	vld.idx.msk [tilespmem:v0+s23+$0xFFFFFFF0 ss:$0x1], $0xffff  }
0x30: {  	v1 =	vld.idx.msk [tilespmem:v0+s23+$0x0 ss:$0x1], $0xffff  }
0x31: {  	v2 =	vld.idx.msk [tilespmem:v0+s23+$0x10 ss:$0x1], $0xffff;
	[tilespmem:s19+$0x30] =	vst v6  }
0x32: {  	s22 =	simm.s32 $0x80;
	s24 =	simm.s32 $0x400;
	[tilespmem:s19+$0xFFFFFFC0] =	vst v7;
	v6 =	vld.idx.msk [tilespmem:v0+s23+$0x20 ss:$0x1], $0xffff;
	s23 =	smov.u32 s19  }
.LBB1_5:
0x33: {  	p1 =	sne.s32 s24, $0xE00;
	v7 =	vld.idx.msk [tilespmem:v0+s22+$0x30 ss:$0x1], $0xffff;
	[tilespmem:s23+$0xFFFFFFD0] =	vst v5  }
0x34: {  	v8 =	vld.idx.msk [tilespmem:v0+s22+$0xFFFFFFC0 ss:$0x1], $0xffff;
	[tilespmem:s23+$0xFFFFFFE0] =	vst v4  }
0x35: {  	v5 =	vld.idx.msk [tilespmem:v0+s22+$0xFFFFFFD0 ss:$0x1], $0xffff;
	[tilespmem:s23+$0xFFFFFFF0] =	vst v3  }
.Ltmp3:
0x36: {  	v4 =	vld.idx.msk [tilespmem:v0+s22+$0xFFFFFFE0 ss:$0x1], $0xffff;
	[tilespmem:s23+$0x0] =	vst v1;
	(pc) =	sbr.rel @p1 .LBB1_5-.Ltmp3, $4  }
0x37: {  	v3 =	vld.idx.msk [tilespmem:v0+s22+$0xFFFFFFF0 ss:$0x1], $0xffff;
	[tilespmem:s23+$0x10] =	vst v2  }
0x38: {  	v1 =	vld.idx.msk [tilespmem:v0+s22+$0x0 ss:$0x1], $0xffff;
	[tilespmem:s23+$0x20] =	vst v6;
	s23 =	sadd.s32 $0x400, s23  }
0x39: {  	v2 =	vld.idx.msk [tilespmem:v0+s22+$0x10 ss:$0x1], $0xffff;
	[tilespmem:s23+$0x30] =	vst v7  }
0x3a: {  	[tilespmem:s23+$0xFFFFFFC0] =	vst v8;
	v6 =	vld.idx.msk [tilespmem:v0+s22+$0x20 ss:$0x1], $0xffff;
	s22 =	sshra.s32 s24, $0x2;
	s24 =	sadd.s32 $0x200, s24  }
0x3b: {  	_ =	sdelay $0x2  }
0x3c: {  	[tilespmem:s23+$0xFFFFFFD0] =	vst v5  }
0x3d: {  	v56 =	vld.idx.msk [tilespmem:v0+s22+$0x30 ss:$0x1], $0xffff;
	[tilespmem:s23+$0xFFFFFFE0] =	vst v4  }
0x3e: {  	v57 =	vld.idx.msk [tilespmem:v0+s22+$0xFFFFFFC0 ss:$0x1], $0xffff;
	[tilespmem:s23+$0xFFFFFFF0] =	vst v3  }
0x3f: {  	v58 =	vld.idx.msk [tilespmem:v0+s22+$0xFFFFFFD0 ss:$0x1], $0xffff;
	[tilespmem:s23+$0x0] =	vst v1  }
0x40: {  	v59 =	vld.idx.msk [tilespmem:v0+s22+$0xFFFFFFE0 ss:$0x1], $0xffff;
	[tilespmem:s23+$0x10] =	vst v2  }
0x41: {  	v60 =	vld.idx.msk [tilespmem:v0+s22+$0xFFFFFFF0 ss:$0x1], $0xffff;
	s31 =	sadd.s32 $0x400, s23;
	[tilespmem:s23+$0x20] =	vst v6  }
0x42: {  	v61 =	vld.idx.msk [tilespmem:v0+s22+$0x0 ss:$0x1], $0xffff;
	[tilespmem:s31+$0x30] =	vst v56  }
0x43: {  	v62 =	vld.idx.msk [tilespmem:v0+s22+$0x10 ss:$0x1], $0xffff;
	s21 =	sadd.s32 $0x1, s21;
	[tilespmem:s31+$0xFFFFFFC0] =	vst v57  }
0x44: {  	v63 =	vld.idx.msk [tilespmem:v0+s22+$0x20 ss:$0x1], $0xffff;
	p1 =	sne.s32 s21, $0x8;
	[tilespmem:s31+$0xFFFFFFD0] =	vst v58  }
.Ltmp4:
0x45: {  	[tilespmem:s31+$0xFFFFFFE0] =	vst v59;
	(pc) =	sbr.rel @p1 .LBB1_4-.Ltmp4, $4  }
0x46: {  	[tilespmem:s31+$0xFFFFFFF0] =	vst v60  }
0x47: {  	[tilespmem:s31+$0x0] =	vst v61  }
0x48: {  	[tilespmem:s31+$0x10] =	vst v62  }
0x49: {  	s19 =	sadd.s32 $0x80, s19;
	s20 =	sadd.s32 $0x400, s20;
	[tilespmem:s31+$0x20] =	vst v63  }
.Ltmp5:
0x4a: {  	(pc) =	sbr.rel @p0 .LBB1_3-.Ltmp5, $2  }
0x4b: {  	_ =	sdelay $0x2  }
0x4c: {  	s19 =	simm.s32 $0x2000;
	p1 =	por $0x0, $0x0  }
0x4d: {  	s14 =	sand.u32 $0x1FFFFFF, s14  }
0x4e: {  	s17 =	smulhi.u32 $0xAAAAAAB, s14  }
0x4f: {  	s15 =	smul.u32 $0xC00, s15  }
0x50: {  	s17 =	smul.u32 $0x18, s17  }
.Ltmp6:
0x51: {  	_ = 	snop;
	(pc) =	sbr.rel .LBB1_9-.Ltmp6, $4  }
0x52: {  	s14 =	ssub.s32 s14, s17  }
0x53: {  	s15 =	sadd.s32 s3, s15;
	s14 =	sshll.u32 s14, $0x4  }
0x54: {  	s14 =	sadd.s32 s14, s15  }
0x55: {  	[hbm4b:s14+s8] =	stream.strided.scatter [tilespmem:s16], [sflag:$0x2], $0x4000, s9, s8, $0x38;
	[tilespmem:$0x10000] =	vst v63  }
.LBB1_10:
0x56: {  	_ =	sfence.sel $0x180000  }
0x57: {  	s2 =	simm.s32 $0x1;
	[bflag:$0x0] =	sbarrier.arrive $0xFFFF  }
0x58: {  	s31 =	simm.s32 $0x2;
	[sflag:s2] =	ssyncpa.u1 $0x1  }
0x59: {  	[sflag:s31] =	ssyncpa.u1 $0x1  }
0x5a: {  	p0 =	sne.s32 s0, $0x0;
	_ =	strace $0x9000004A  }
0x5b: {  	s0 =	sadd.s32 @!p0 $0x100000, s1;
	[bflag:$0x2] =	sbarrier.arrive $0xFFFF  }
0x5c: {  	[sflag:s0] =	ssyncadd.tile.s32 @!p0 $0x1;
	_ =	shalt  }
.Lfunc_end1:
_tile_overlayer_lowered:
.L_overlay_start_2:
0x5d: {  	(tag) =	ssettag $0x2  }
0x5e: {  	s0 =	rddreg [dreg:$0x0];
	s2 =	stileid.u32  }
0x5f: {  	s1 =	rddreg [dreg:$0x1];
	p0 =	sne.s32 s2, $0x0  }
0x60: {  	s3 =	rddreg [dreg:$0x2];
	[bflag:$0x3] =	sbarrier.arrive $0xFFFF;
	s2 =	simm.s32 @!p0 $0x1C01  }
0x61: {  	[timem:s3], [sflag:s2] =	dma.local @!p0 [hbm:s0], s1  }
0x62: {  	s0 =	simm.s32 @!p0 $0x1  }
0x63: {  	_ =	swait.ge @!p0 [sflag:s0], s1  }
0x64: {  	s1 =	ssub.s32 @!p0 $0x0, s1;
	[sflag:s0] =	ssyncset.done @!p0 $0x0  }
0x65: {  	[sflag:s0] =	ssyncadd.s32 @!p0 s1  }
0x66: {  	[bflag:$0x3] =	sbarrier.arrive $0xFFFF  }
0x67: {  	_ =	shalt  }

</sc_bundles>
